<compile_context>
chip_gen: v7x
topology: tpu7x:2x2x1
jax: 0.10.2.dev20260603
libtpu: 0.0.44.dev20260713+nightly
codegen_flags: <defaults>
</compile_context>

<pallas_src>
import functools

import jax
import jax.numpy as jnp
from jax import lax
from jax.experimental import pallas as pl
from jax.experimental.pallas import tpu as pltpu
from jax.experimental.pallas import tpu_sc as plsc

_BATCH = 4096
_HIST = 200
_D = 64
_NC = 2
_NS = 16
_NW = _NC * _NS
_B_PER_W = _BATCH // _NW
_GB = 2
_GROUP = _GB * _HIST
_IDX_PER_DMA = 100
_DMAS_PER_GROUP = _GROUP // _IDX_PER_DMA
_N_GROUPS = _B_PER_W // _GB
_N_IDX_ROWS = _B_PER_W * _HIST // _IDX_PER_DMA


def _gather_body(table_hbm, idx_hbm, out_hbm, idx_v, rows_v, gsem):
    wid = lax.axis_index("s") * _NC + lax.axis_index("c")
    b_base = wid * _B_PER_W

    pltpu.sync_copy(idx_hbm.at[wid], idx_v)

    def fire(g, slot):
        for j in range(_DMAS_PER_GROUP):
            r = j * _IDX_PER_DMA
            pltpu.async_copy(
                table_hbm.at[idx_v.at[g * _DMAS_PER_GROUP + j]],
                rows_v.at[slot, r // _HIST, pl.ds(r % _HIST, _IDX_PER_DMA)],
                gsem,
            )

    def drain(slot):
        for j in range(_DMAS_PER_GROUP):
            r = j * _IDX_PER_DMA
            pltpu.make_async_copy(
                table_hbm.at[pl.ds(0, _IDX_PER_DMA)],
                rows_v.at[slot, r // _HIST, pl.ds(r % _HIST, _IDX_PER_DMA)],
                gsem,
            ).wait()

    def write_out(g, slot):
        pltpu.sync_copy(
            rows_v.at[slot], out_hbm.at[pl.ds(b_base + g * _GB, _GB)]
        )

    fire(0, 0)

    def body(g, _):
        slot = lax.rem(g, 2)
        fire(g + 1, 1 - slot)
        drain(slot)
        write_out(g, slot)
        return 0

    lax.fori_loop(0, _N_GROUPS - 1, body, 0)
    last = _N_GROUPS - 1
    drain(last % 2)
    write_out(last, last % 2)


@functools.partial(
    pl.kernel,
    out_type=jax.ShapeDtypeStruct((_BATCH, _HIST, _D), jnp.float32),
    mesh=plsc.VectorSubcoreMesh(core_axis_name="c", subcore_axis_name="s"),
    scratch_types=[
        pltpu.VMEM((_N_IDX_ROWS, _IDX_PER_DMA), jnp.int32),
        pltpu.VMEM((2, _GB, _HIST, _D), jnp.float32),
        pltpu.SemaphoreType.DMA,
    ],
    compiler_params=pltpu.CompilerParams(use_tc_tiling_on_sc=False),
)
def _embed_gather(table_hbm, idx_hbm, out_hbm, idx_v, rows_v, gsem):
    _gather_body(table_hbm, idx_hbm, out_hbm, idx_v, rows_v, gsem)


def kernel(x, table):
    idx = x.reshape(_NW, _N_IDX_ROWS, _IDX_PER_DMA)
    return _embed_gather(table, idx)

# --- scband reference (transcript-rebuilt; emitter-appended) ---
"""Pipeline reference for scband-transformer-embedding-66219805770162 (READ-ONLY COPY).

The authoritative reference and input builder live on the scoring server;
editing this copy changes nothing except your own understanding.
"""

import jax, jax.numpy as jnp
import numpy as np

VOCAB = 1000000
D_MODEL = 64
BATCH = 4096
HIST = 200
PAD_IDX = 2


def setup_inputs(seed: int = 0) -> dict:
    key = jax.random.key(seed)
    k1, k2 = jax.random.split(key)
    x = jax.random.randint(k1, (BATCH, HIST), 0, VOCAB, dtype=jnp.int32)
    # nn.Embedding weight ~ N(0, 1); padding_idx row zeroed at init
    table = jax.random.normal(k2, (VOCAB, D_MODEL), dtype=jnp.float32)
    table = table.at[PAD_IDX].set(0.0)
    return {"x": x, "table": table}


def reference(x, table):
    # TransformerEmbedding.forward: x = self.embedding(x)
    return jnp.take(table, x, axis=0)

if __name__ == "__main__":
    import jax
    _d = setup_inputs()
    print(jax.jit(kernel)(*tuple(_d.values())))

</pallas_src>

<mosaic_0001>
#map = affine_map<(d0, d1) -> (0, 0)>
#map1 = affine_map<(d0, d1) -> (0, 0, 0)>
module attributes {stable_mosaic.version = 14 : i64} {
  func.func @_embed_gather(%arg0: i32, %arg1: i32, %arg2: memref<1000000x64xf32, #tpu.memory_space<hbm>>, %arg3: memref<32x256x100xi32, #tpu.memory_space<hbm>>, %arg4: memref<4096x200x64xf32, #tpu.memory_space<hbm>>, %arg5: memref<256x100xi32, #tpu.memory_space<vmem>>, %arg6: memref<2x2x200x64xf32, #tpu.memory_space<vmem>>, %arg7: memref<!tpu.dma_semaphore, #tpu.memory_space<semaphore_mem>>) attributes {dimension_semantics = [#tpu.dimension_semantics<core_parallel>, #tpu.dimension_semantics<subcore_parallel>], iteration_bounds = array<i64: 2, 16>, scalar_prefetch = 0 : i64, scratch_operands = 3 : i64, tpu.core_type = #tpu.core_type<sc_vector_subcore>, window_params = [{transform_indices = #map}, {transform_indices = #map1}, {transform_indices = #map1}]} {
    %mul3A = arith.constant 2 : i32
    %mul3A_0 = arith.muli %arg1, %mul3A : i32
    %add3A = arith.addi %mul3A_0, %arg0 : i32
    %mul3A_1 = arith.constant 128 : i32
    %mul3A_2 = arith.muli %add3A, %mul3A_1 : i32
    "tpu.region"() ({
      %run_scoped3A_125 = tpu.sem_alloc : memref<!tpu.dma_semaphore, #tpu.memory_space<semaphore_mem>>
      %dma_start3A_126 = arith.constant 0 : i32
      %dma_start3A_127 = arith.constant 0 : i32
      %dma_start3A_128 = tpu.memref_slice %arg3[%add3A, %dma_start3A_126, %dma_start3A_127] : memref<32x256x100xi32, #tpu.memory_space<hbm>> -> memref<1x256x100xi32, #tpu.memory_space<hbm>>
      %dma_start3A_129 = tpu.memref_squeeze %dma_start3A_128 : memref<1x256x100xi32, #tpu.memory_space<hbm>> -> memref<256x100xi32, #tpu.memory_space<hbm>>
      %dma_start3A_130 = arith.constant 0 : i32
      %dma_start3A_131 = arith.constant 0 : i32
      %dma_start3A_132 = tpu.memref_slice %arg3[%add3A, %dma_start3A_130, %dma_start3A_131] : memref<32x256x100xi32, #tpu.memory_space<hbm>> -> memref<1x256x100xi32, #tpu.memory_space<hbm>>
      %dma_start3A_133 = tpu.memref_squeeze %dma_start3A_132 : memref<1x256x100xi32, #tpu.memory_space<hbm>> -> memref<256x100xi32, #tpu.memory_space<hbm>>
      tpu.enqueue_dma source(%dma_start3A_133 : memref<256x100xi32, #tpu.memory_space<hbm>>) target(%arg5 : memref<256x100xi32, #tpu.memory_space<vmem>>) target_semaphore(%run_scoped3A_125 : memref<!tpu.dma_semaphore, #tpu.memory_space<semaphore_mem>>)
      %dma_wait3A_134 = arith.constant 0 : i32
      %dma_wait3A_135 = arith.constant 0 : i32
      %dma_wait3A_136 = tpu.memref_slice %arg3[%add3A, %dma_wait3A_134, %dma_wait3A_135] : memref<32x256x100xi32, #tpu.memory_space<hbm>> -> memref<1x256x100xi32, #tpu.memory_space<hbm>>
      %dma_wait3A_137 = tpu.memref_squeeze %dma_wait3A_136 : memref<1x256x100xi32, #tpu.memory_space<hbm>> -> memref<256x100xi32, #tpu.memory_space<hbm>>
      %dma_wait3A_138 = arith.constant 0 : i32
      %dma_wait3A_139 = arith.constant 0 : i32
      %dma_wait3A_140 = tpu.memref_slice %arg3[%add3A, %dma_wait3A_138, %dma_wait3A_139] : memref<32x256x100xi32, #tpu.memory_space<hbm>> -> memref<1x256x100xi32, #tpu.memory_space<hbm>>
      %dma_wait3A_141 = tpu.memref_squeeze %dma_wait3A_140 : memref<1x256x100xi32, #tpu.memory_space<hbm>> -> memref<256x100xi32, #tpu.memory_space<hbm>>
      tpu.wait_dma2 semaphore(%run_scoped3A_125 : memref<!tpu.dma_semaphore, #tpu.memory_space<semaphore_mem>>) src(%dma_wait3A_141 : memref<256x100xi32, #tpu.memory_space<hbm>>) dst(%arg5 : memref<256x100xi32, #tpu.memory_space<vmem>>)
      tpu.yield
    }) : () -> ()
    %dma_start3A = arith.constant 0 : i32
    %dma_start3A_3 = arith.constant 0 : i32
    %dma_start3A_4 = arith.constant 0 : i32
    %dma_start3A_5 = arith.constant 0 : i32
    %dma_start3A_6 = arith.constant 0 : i32
    %dma_start3A_7 = tpu.memref_slice %arg6[%dma_start3A_3, %dma_start3A_4, %dma_start3A_5, %dma_start3A_6] : memref<2x2x200x64xf32, #tpu.memory_space<vmem>> -> memref<1x1x100x64xf32, #tpu.memory_space<vmem>>
    %dma_start3A_8 = tpu.memref_squeeze %dma_start3A_7 : memref<1x1x100x64xf32, #tpu.memory_space<vmem>> -> memref<100x64xf32, #tpu.memory_space<vmem>>
    %dma_start3A_9 = arith.constant 0 : i32
    %dma_start3A_10 = tpu.memref_slice %arg5[%dma_start3A, %dma_start3A_9] : memref<256x100xi32, #tpu.memory_space<vmem>> -> memref<1x100xi32, #tpu.memory_space<vmem>>
    %dma_start3A_11 = tpu.memref_squeeze %dma_start3A_10 : memref<1x100xi32, #tpu.memory_space<vmem>> -> memref<100xi32, #tpu.memory_space<vmem>>
    %dma_start3A_12 = arith.constant 0 : i32
    %dma_start3A_13 = arith.constant 0 : i32
    %dma_start3A_14 = tpu.memref_slice %arg2[%dma_start3A_12, %dma_start3A_13] : memref<1000000x64xf32, #tpu.memory_space<hbm>> -> memref<1000000x64xf32, #tpu.memory_space<hbm>>
    tpu.enqueue_indirect_dma source(%dma_start3A_14 : memref<1000000x64xf32, #tpu.memory_space<hbm>>) target(%dma_start3A_8 : memref<100x64xf32, #tpu.memory_space<vmem>>) offsets(%dma_start3A_11 : memref<100xi32, #tpu.memory_space<vmem>>) semaphore(%arg7 : memref<!tpu.dma_semaphore, #tpu.memory_space<semaphore_mem>>)
    %dma_start3A_15 = arith.constant 1 : i32
    %dma_start3A_16 = arith.constant 0 : i32
    %dma_start3A_17 = arith.constant 0 : i32
    %dma_start3A_18 = arith.constant 100 : i32
    %dma_start3A_19 = arith.constant 0 : i32
    %dma_start3A_20 = tpu.memref_slice %arg6[%dma_start3A_16, %dma_start3A_17, %dma_start3A_18, %dma_start3A_19] : memref<2x2x200x64xf32, #tpu.memory_space<vmem>> -> memref<1x1x100x64xf32, #tpu.memory_space<vmem>>
    %dma_start3A_21 = tpu.memref_squeeze %dma_start3A_20 : memref<1x1x100x64xf32, #tpu.memory_space<vmem>> -> memref<100x64xf32, #tpu.memory_space<vmem>>
    %dma_start3A_22 = arith.constant 0 : i32
    %dma_start3A_23 = tpu.memref_slice %arg5[%dma_start3A_15, %dma_start3A_22] : memref<256x100xi32, #tpu.memory_space<vmem>> -> memref<1x100xi32, #tpu.memory_space<vmem>>
    %dma_start3A_24 = tpu.memref_squeeze %dma_start3A_23 : memref<1x100xi32, #tpu.memory_space<vmem>> -> memref<100xi32, #tpu.memory_space<vmem>>
    %dma_start3A_25 = arith.constant 0 : i32
    %dma_start3A_26 = arith.constant 0 : i32
    %dma_start3A_27 = tpu.memref_slice %arg2[%dma_start3A_25, %dma_start3A_26] : memref<1000000x64xf32, #tpu.memory_space<hbm>> -> memref<1000000x64xf32, #tpu.memory_space<hbm>>
    tpu.enqueue_indirect_dma source(%dma_start3A_27 : memref<1000000x64xf32, #tpu.memory_space<hbm>>) target(%dma_start3A_21 : memref<100x64xf32, #tpu.memory_space<vmem>>) offsets(%dma_start3A_24 : memref<100xi32, #tpu.memory_space<vmem>>) semaphore(%arg7 : memref<!tpu.dma_semaphore, #tpu.memory_space<semaphore_mem>>)
    %dma_start3A_28 = arith.constant 2 : i32
    %dma_start3A_29 = arith.constant 0 : i32
    %dma_start3A_30 = arith.constant 1 : i32
    %dma_start3A_31 = arith.constant 0 : i32
    %dma_start3A_32 = arith.constant 0 : i32
    %dma_start3A_33 = tpu.memref_slice %arg6[%dma_start3A_29, %dma_start3A_30, %dma_start3A_31, %dma_start3A_32] : memref<2x2x200x64xf32, #tpu.memory_space<vmem>> -> memref<1x1x100x64xf32, #tpu.memory_space<vmem>>
    %dma_start3A_34 = tpu.memref_squeeze %dma_start3A_33 : memref<1x1x100x64xf32, #tpu.memory_space<vmem>> -> memref<100x64xf32, #tpu.memory_space<vmem>>
    %dma_start3A_35 = arith.constant 0 : i32
    %dma_start3A_36 = tpu.memref_slice %arg5[%dma_start3A_28, %dma_start3A_35] : memref<256x100xi32, #tpu.memory_space<vmem>> -> memref<1x100xi32, #tpu.memory_space<vmem>>
    %dma_start3A_37 = tpu.memref_squeeze %dma_start3A_36 : memref<1x100xi32, #tpu.memory_space<vmem>> -> memref<100xi32, #tpu.memory_space<vmem>>
    %dma_start3A_38 = arith.constant 0 : i32
    %dma_start3A_39 = arith.constant 0 : i32
    %dma_start3A_40 = tpu.memref_slice %arg2[%dma_start3A_38, %dma_start3A_39] : memref<1000000x64xf32, #tpu.memory_space<hbm>> -> memref<1000000x64xf32, #tpu.memory_space<hbm>>
    tpu.enqueue_indirect_dma source(%dma_start3A_40 : memref<1000000x64xf32, #tpu.memory_space<hbm>>) target(%dma_start3A_34 : memref<100x64xf32, #tpu.memory_space<vmem>>) offsets(%dma_start3A_37 : memref<100xi32, #tpu.memory_space<vmem>>) semaphore(%arg7 : memref<!tpu.dma_semaphore, #tpu.memory_space<semaphore_mem>>)
    %dma_start3A_41 = arith.constant 3 : i32
    %dma_start3A_42 = arith.constant 0 : i32
    %dma_start3A_43 = arith.constant 1 : i32
    %dma_start3A_44 = arith.constant 100 : i32
    %dma_start3A_45 = arith.constant 0 : i32
    %dma_start3A_46 = tpu.memref_slice %arg6[%dma_start3A_42, %dma_start3A_43, %dma_start3A_44, %dma_start3A_45] : memref<2x2x200x64xf32, #tpu.memory_space<vmem>> -> memref<1x1x100x64xf32, #tpu.memory_space<vmem>>
    %dma_start3A_47 = tpu.memref_squeeze %dma_start3A_46 : memref<1x1x100x64xf32, #tpu.memory_space<vmem>> -> memref<100x64xf32, #tpu.memory_space<vmem>>
    %dma_start3A_48 = arith.constant 0 : i32
    %dma_start3A_49 = tpu.memref_slice %arg5[%dma_start3A_41, %dma_start3A_48] : memref<256x100xi32, #tpu.memory_space<vmem>> -> memref<1x100xi32, #tpu.memory_space<vmem>>
    %dma_start3A_50 = tpu.memref_squeeze %dma_start3A_49 : memref<1x100xi32, #tpu.memory_space<vmem>> -> memref<100xi32, #tpu.memory_space<vmem>>
    %dma_start3A_51 = arith.constant 0 : i32
    %dma_start3A_52 = arith.constant 0 : i32
    %dma_start3A_53 = tpu.memref_slice %arg2[%dma_start3A_51, %dma_start3A_52] : memref<1000000x64xf32, #tpu.memory_space<hbm>> -> memref<1000000x64xf32, #tpu.memory_space<hbm>>
    tpu.enqueue_indirect_dma source(%dma_start3A_53 : memref<1000000x64xf32, #tpu.memory_space<hbm>>) target(%dma_start3A_47 : memref<100x64xf32, #tpu.memory_space<vmem>>) offsets(%dma_start3A_50 : memref<100xi32, #tpu.memory_space<vmem>>) semaphore(%arg7 : memref<!tpu.dma_semaphore, #tpu.memory_space<semaphore_mem>>)
    %scan3A = arith.constant 0 : i32
    %scan3A_54 = arith.constant 0 : i32
    %scan3A_55 = arith.constant 63 : i32
    %scan3A_56 = arith.addi %scan3A_54, %scan3A_55 : i32
    %scan3A_57 = arith.constant 1 : i32
    %scan3A_58 = scf.for %scan3A_125 = %scan3A_54 to %scan3A_56 step %scan3A_57 iter_args(%scan3A_126 = %scan3A) -> (i32)  : i32 {
      %rem3A = arith.constant 2 : i32
      %rem3A_127 = arith.remsi %scan3A_125, %rem3A : i32
      %add3A_128 = arith.constant 1 : i32
      %add3A_129 = arith.addi %scan3A_125, %add3A_128 : i32
      %sub3A = arith.constant 1 : i32
      %sub3A_130 = arith.subi %sub3A, %rem3A_127 : i32
      %mul3A_131 = arith.constant 4 : i32
      %mul3A_132 = arith.muli %add3A_129, %mul3A_131 : i32
      %add3A_133 = arith.constant 0 : i32
      %add3A_134 = arith.addi %mul3A_132, %add3A_133 : i32
      %dma_start3A_135 = arith.constant 0 : i32
      %dma_start3A_136 = arith.constant 0 : i32
      %dma_start3A_137 = arith.constant 0 : i32
      %dma_start3A_138 = tpu.memref_slice %arg6[%sub3A_130, %dma_start3A_135, %dma_start3A_136, %dma_start3A_137] : memref<2x2x200x64xf32, #tpu.memory_space<vmem>> -> memref<1x1x100x64xf32, #tpu.memory_space<vmem>>
      %dma_start3A_139 = tpu.memref_squeeze %dma_start3A_138 : memref<1x1x100x64xf32, #tpu.memory_space<vmem>> -> memref<100x64xf32, #tpu.memory_space<vmem>>
      %dma_start3A_140 = arith.constant 0 : i32
      %dma_start3A_141 = tpu.memref_slice %arg5[%add3A_134, %dma_start3A_140] : memref<256x100xi32, #tpu.memory_space<vmem>> -> memref<1x100xi32, #tpu.memory_space<vmem>>
      %dma_start3A_142 = tpu.memref_squeeze %dma_start3A_141 : memref<1x100xi32, #tpu.memory_space<vmem>> -> memref<100xi32, #tpu.memory_space<vmem>>
      %dma_start3A_143 = arith.constant 0 : i32
      %dma_start3A_144 = arith.constant 0 : i32
      %dma_start3A_145 = tpu.memref_slice %arg2[%dma_start3A_143, %dma_start3A_144] : memref<1000000x64xf32, #tpu.memory_space<hbm>> -> memref<1000000x64xf32, #tpu.memory_space<hbm>>
      tpu.enqueue_indirect_dma source(%dma_start3A_145 : memref<1000000x64xf32, #tpu.memory_space<hbm>>) target(%dma_start3A_139 : memref<100x64xf32, #tpu.memory_space<vmem>>) offsets(%dma_start3A_142 : memref<100xi32, #tpu.memory_space<vmem>>) semaphore(%arg7 : memref<!tpu.dma_semaphore, #tpu.memory_space<semaphore_mem>>)
      %mul3A_146 = arith.constant 4 : i32
      %mul3A_147 = arith.muli %add3A_129, %mul3A_146 : i32
      %add3A_148 = arith.constant 1 : i32
      %add3A_149 = arith.addi %mul3A_147, %add3A_148 : i32
      %dma_start3A_150 = arith.constant 0 : i32
      %dma_start3A_151 = arith.constant 100 : i32
      %dma_start3A_152 = arith.constant 0 : i32
      %dma_start3A_153 = tpu.memref_slice %arg6[%sub3A_130, %dma_start3A_150, %dma_start3A_151, %dma_start3A_152] : memref<2x2x200x64xf32, #tpu.memory_space<vmem>> -> memref<1x1x100x64xf32, #tpu.memory_space<vmem>>
      %dma_start3A_154 = tpu.memref_squeeze %dma_start3A_153 : memref<1x1x100x64xf32, #tpu.memory_space<vmem>> -> memref<100x64xf32, #tpu.memory_space<vmem>>
      %dma_start3A_155 = arith.constant 0 : i32
      %dma_start3A_156 = tpu.memref_slice %arg5[%add3A_149, %dma_start3A_155] : memref<256x100xi32, #tpu.memory_space<vmem>> -> memref<1x100xi32, #tpu.memory_space<vmem>>
      %dma_start3A_157 = tpu.memref_squeeze %dma_start3A_156 : memref<1x100xi32, #tpu.memory_space<vmem>> -> memref<100xi32, #tpu.memory_space<vmem>>
      %dma_start3A_158 = arith.constant 0 : i32
      %dma_start3A_159 = arith.constant 0 : i32
      %dma_start3A_160 = tpu.memref_slice %arg2[%dma_start3A_158, %dma_start3A_159] : memref<1000000x64xf32, #tpu.memory_space<hbm>> -> memref<1000000x64xf32, #tpu.memory_space<hbm>>
      tpu.enqueue_indirect_dma source(%dma_start3A_160 : memref<1000000x64xf32, #tpu.memory_space<hbm>>) target(%dma_start3A_154 : memref<100x64xf32, #tpu.memory_space<vmem>>) offsets(%dma_start3A_157 : memref<100xi32, #tpu.memory_space<vmem>>) semaphore(%arg7 : memref<!tpu.dma_semaphore, #tpu.memory_space<semaphore_mem>>)
      %mul3A_161 = arith.constant 4 : i32
      %mul3A_162 = arith.muli %add3A_129, %mul3A_161 : i32
      %add3A_163 = arith.constant 2 : i32
      %add3A_164 = arith.addi %mul3A_162, %add3A_163 : i32
      %dma_start3A_165 = arith.constant 1 : i32
      %dma_start3A_166 = arith.constant 0 : i32
      %dma_start3A_167 = arith.constant 0 : i32
      %dma_start3A_168 = tpu.memref_slice %arg6[%sub3A_130, %dma_start3A_165, %dma_start3A_166, %dma_start3A_167] : memref<2x2x200x64xf32, #tpu.memory_space<vmem>> -> memref<1x1x100x64xf32, #tpu.memory_space<vmem>>
      %dma_start3A_169 = tpu.memref_squeeze %dma_start3A_168 : memref<1x1x100x64xf32, #tpu.memory_space<vmem>> -> memref<100x64xf32, #tpu.memory_space<vmem>>
      %dma_start3A_170 = arith.constant 0 : i32
      %dma_start3A_171 = tpu.memref_slice %arg5[%add3A_164, %dma_start3A_170] : memref<256x100xi32, #tpu.memory_space<vmem>> -> memref<1x100xi32, #tpu.memory_space<vmem>>
      %dma_start3A_172 = tpu.memref_squeeze %dma_start3A_171 : memref<1x100xi32, #tpu.memory_space<vmem>> -> memref<100xi32, #tpu.memory_space<vmem>>
      %dma_start3A_173 = arith.constant 0 : i32
      %dma_start3A_174 = arith.constant 0 : i32
      %dma_start3A_175 = tpu.memref_slice %arg2[%dma_start3A_173, %dma_start3A_174] : memref<1000000x64xf32, #tpu.memory_space<hbm>> -> memref<1000000x64xf32, #tpu.memory_space<hbm>>
      tpu.enqueue_indirect_dma source(%dma_start3A_175 : memref<1000000x64xf32, #tpu.memory_space<hbm>>) target(%dma_start3A_169 : memref<100x64xf32, #tpu.memory_space<vmem>>) offsets(%dma_start3A_172 : memref<100xi32, #tpu.memory_space<vmem>>) semaphore(%arg7 : memref<!tpu.dma_semaphore, #tpu.memory_space<semaphore_mem>>)
      %mul3A_176 = arith.constant 4 : i32
      %mul3A_177 = arith.muli %add3A_129, %mul3A_176 : i32
      %add3A_178 = arith.constant 3 : i32
      %add3A_179 = arith.addi %mul3A_177, %add3A_178 : i32
      %dma_start3A_180 = arith.constant 1 : i32
      %dma_start3A_181 = arith.constant 100 : i32
      %dma_start3A_182 = arith.constant 0 : i32
      %dma_start3A_183 = tpu.memref_slice %arg6[%sub3A_130, %dma_start3A_180, %dma_start3A_181, %dma_start3A_182] : memref<2x2x200x64xf32, #tpu.memory_space<vmem>> -> memref<1x1x100x64xf32, #tpu.memory_space<vmem>>
      %dma_start3A_184 = tpu.memref_squeeze %dma_start3A_183 : memref<1x1x100x64xf32, #tpu.memory_space<vmem>> -> memref<100x64xf32, #tpu.memory_space<vmem>>
      %dma_start3A_185 = arith.constant 0 : i32
      %dma_start3A_186 = tpu.memref_slice %arg5[%add3A_179, %dma_start3A_185] : memref<256x100xi32, #tpu.memory_space<vmem>> -> memref<1x100xi32, #tpu.memory_space<vmem>>
      %dma_start3A_187 = tpu.memref_squeeze %dma_start3A_186 : memref<1x100xi32, #tpu.memory_space<vmem>> -> memref<100xi32, #tpu.memory_space<vmem>>
      %dma_start3A_188 = arith.constant 0 : i32
      %dma_start3A_189 = arith.constant 0 : i32
      %dma_start3A_190 = tpu.memref_slice %arg2[%dma_start3A_188, %dma_start3A_189] : memref<1000000x64xf32, #tpu.memory_space<hbm>> -> memref<1000000x64xf32, #tpu.memory_space<hbm>>
      tpu.enqueue_indirect_dma source(%dma_start3A_190 : memref<1000000x64xf32, #tpu.memory_space<hbm>>) target(%dma_start3A_184 : memref<100x64xf32, #tpu.memory_space<vmem>>) offsets(%dma_start3A_187 : memref<100xi32, #tpu.memory_space<vmem>>) semaphore(%arg7 : memref<!tpu.dma_semaphore, #tpu.memory_space<semaphore_mem>>)
      %dma_wait3A_191 = arith.constant 0 : i32
      %dma_wait3A_192 = arith.constant 0 : i32
      %dma_wait3A_193 = arith.constant 0 : i32
      %dma_wait3A_194 = tpu.memref_slice %arg6[%rem3A_127, %dma_wait3A_191, %dma_wait3A_192, %dma_wait3A_193] : memref<2x2x200x64xf32, #tpu.memory_space<vmem>> -> memref<1x1x100x64xf32, #tpu.memory_space<vmem>>
      %dma_wait3A_195 = tpu.memref_squeeze %dma_wait3A_194 : memref<1x1x100x64xf32, #tpu.memory_space<vmem>> -> memref<100x64xf32, #tpu.memory_space<vmem>>
      %dma_wait3A_196 = arith.constant 0 : i32
      %dma_wait3A_197 = arith.constant 0 : i32
      %dma_wait3A_198 = tpu.memref_slice %arg2[%dma_wait3A_196, %dma_wait3A_197] : memref<1000000x64xf32, #tpu.memory_space<hbm>> -> memref<100x64xf32, #tpu.memory_space<hbm>>
      %dma_wait3A_199 = arith.constant 0 : i32
      %dma_wait3A_200 = arith.constant 0 : i32
      %dma_wait3A_201 = tpu.memref_slice %arg6[%rem3A_127, %dma_wait3A_191, %dma_wait3A_199, %dma_wait3A_200] : memref<2x2x200x64xf32, #tpu.memory_space<vmem>> -> memref<1x1x100x64xf32, #tpu.memory_space<vmem>>
      %dma_wait3A_202 = tpu.memref_squeeze %dma_wait3A_201 : memref<1x1x100x64xf32, #tpu.memory_space<vmem>> -> memref<100x64xf32, #tpu.memory_space<vmem>>
      %dma_wait3A_203 = arith.constant 0 : i32
      %dma_wait3A_204 = arith.constant 0 : i32
      %dma_wait3A_205 = tpu.memref_slice %arg2[%dma_wait3A_203, %dma_wait3A_204] : memref<1000000x64xf32, #tpu.memory_space<hbm>> -> memref<100x64xf32, #tpu.memory_space<hbm>>
      tpu.wait_dma2 semaphore(%arg7 : memref<!tpu.dma_semaphore, #tpu.memory_space<semaphore_mem>>) src(%dma_wait3A_205 : memref<100x64xf32, #tpu.memory_space<hbm>>) dst(%dma_wait3A_202 : memref<100x64xf32, #tpu.memory_space<vmem>>)
      %dma_wait3A_206 = arith.constant 0 : i32
      %dma_wait3A_207 = arith.constant 100 : i32
      %dma_wait3A_208 = arith.constant 0 : i32
      %dma_wait3A_209 = tpu.memref_slice %arg6[%rem3A_127, %dma_wait3A_206, %dma_wait3A_207, %dma_wait3A_208] : memref<2x2x200x64xf32, #tpu.memory_space<vmem>> -> memref<1x1x100x64xf32, #tpu.memory_space<vmem>>
      %dma_wait3A_210 = tpu.memref_squeeze %dma_wait3A_209 : memref<1x1x100x64xf32, #tpu.memory_space<vmem>> -> memref<100x64xf32, #tpu.memory_space<vmem>>
      %dma_wait3A_211 = arith.constant 0 : i32
      %dma_wait3A_212 = arith.constant 0 : i32
      %dma_wait3A_213 = tpu.memref_slice %arg2[%dma_wait3A_211, %dma_wait3A_212] : memref<1000000x64xf32, #tpu.memory_space<hbm>> -> memref<100x64xf32, #tpu.memory_space<hbm>>
      %dma_wait3A_214 = arith.constant 100 : i32
      %dma_wait3A_215 = arith.constant 0 : i32
      %dma_wait3A_216 = tpu.memref_slice %arg6[%rem3A_127, %dma_wait3A_206, %dma_wait3A_214, %dma_wait3A_215] : memref<2x2x200x64xf32, #tpu.memory_space<vmem>> -> memref<1x1x100x64xf32, #tpu.memory_space<vmem>>
      %dma_wait3A_217 = tpu.memref_squeeze %dma_wait3A_216 : memref<1x1x100x64xf32, #tpu.memory_space<vmem>> -> memref<100x64xf32, #tpu.memory_space<vmem>>
      %dma_wait3A_218 = arith.constant 0 : i32
      %dma_wait3A_219 = arith.constant 0 : i32
      %dma_wait3A_220 = tpu.memref_slice %arg2[%dma_wait3A_218, %dma_wait3A_219] : memref<1000000x64xf32, #tpu.memory_space<hbm>> -> memref<100x64xf32, #tpu.memory_space<hbm>>
      tpu.wait_dma2 semaphore(%arg7 : memref<!tpu.dma_semaphore, #tpu.memory_space<semaphore_mem>>) src(%dma_wait3A_220 : memref<100x64xf32, #tpu.memory_space<hbm>>) dst(%dma_wait3A_217 : memref<100x64xf32, #tpu.memory_space<vmem>>)
      %dma_wait3A_221 = arith.constant 1 : i32
      %dma_wait3A_222 = arith.constant 0 : i32
      %dma_wait3A_223 = arith.constant 0 : i32
      %dma_wait3A_224 = tpu.memref_slice %arg6[%rem3A_127, %dma_wait3A_221, %dma_wait3A_222, %dma_wait3A_223] : memref<2x2x200x64xf32, #tpu.memory_space<vmem>> -> memref<1x1x100x64xf32, #tpu.memory_space<vmem>>
      %dma_wait3A_225 = tpu.memref_squeeze %dma_wait3A_224 : memref<1x1x100x64xf32, #tpu.memory_space<vmem>> -> memref<100x64xf32, #tpu.memory_space<vmem>>
      %dma_wait3A_226 = arith.constant 0 : i32
      %dma_wait3A_227 = arith.constant 0 : i32
      %dma_wait3A_228 = tpu.memref_slice %arg2[%dma_wait3A_226, %dma_wait3A_227] : memref<1000000x64xf32, #tpu.memory_space<hbm>> -> memref<100x64xf32, #tpu.memory_space<hbm>>
      %dma_wait3A_229 = arith.constant 0 : i32
      %dma_wait3A_230 = arith.constant 0 : i32
      %dma_wait3A_231 = tpu.memref_slice %arg6[%rem3A_127, %dma_wait3A_221, %dma_wait3A_229, %dma_wait3A_230] : memref<2x2x200x64xf32, #tpu.memory_space<vmem>> -> memref<1x1x100x64xf32, #tpu.memory_space<vmem>>
      %dma_wait3A_232 = tpu.memref_squeeze %dma_wait3A_231 : memref<1x1x100x64xf32, #tpu.memory_space<vmem>> -> memref<100x64xf32, #tpu.memory_space<vmem>>
      %dma_wait3A_233 = arith.constant 0 : i32
      %dma_wait3A_234 = arith.constant 0 : i32
      %dma_wait3A_235 = tpu.memref_slice %arg2[%dma_wait3A_233, %dma_wait3A_234] : memref<1000000x64xf32, #tpu.memory_space<hbm>> -> memref<100x64xf32, #tpu.memory_space<hbm>>
      tpu.wait_dma2 semaphore(%arg7 : memref<!tpu.dma_semaphore, #tpu.memory_space<semaphore_mem>>) src(%dma_wait3A_235 : memref<100x64xf32, #tpu.memory_space<hbm>>) dst(%dma_wait3A_232 : memref<100x64xf32, #tpu.memory_space<vmem>>)
      %dma_wait3A_236 = arith.constant 1 : i32
      %dma_wait3A_237 = arith.constant 100 : i32
      %dma_wait3A_238 = arith.constant 0 : i32
      %dma_wait3A_239 = tpu.memref_slice %arg6[%rem3A_127, %dma_wait3A_236, %dma_wait3A_237, %dma_wait3A_238] : memref<2x2x200x64xf32, #tpu.memory_space<vmem>> -> memref<1x1x100x64xf32, #tpu.memory_space<vmem>>
      %dma_wait3A_240 = tpu.memref_squeeze %dma_wait3A_239 : memref<1x1x100x64xf32, #tpu.memory_space<vmem>> -> memref<100x64xf32, #tpu.memory_space<vmem>>
      %dma_wait3A_241 = arith.constant 0 : i32
      %dma_wait3A_242 = arith.constant 0 : i32
      %dma_wait3A_243 = tpu.memref_slice %arg2[%dma_wait3A_241, %dma_wait3A_242] : memref<1000000x64xf32, #tpu.memory_space<hbm>> -> memref<100x64xf32, #tpu.memory_space<hbm>>
      %dma_wait3A_244 = arith.constant 100 : i32
      %dma_wait3A_245 = arith.constant 0 : i32
      %dma_wait3A_246 = tpu.memref_slice %arg6[%rem3A_127, %dma_wait3A_236, %dma_wait3A_244, %dma_wait3A_245] : memref<2x2x200x64xf32, #tpu.memory_space<vmem>> -> memref<1x1x100x64xf32, #tpu.memory_space<vmem>>
      %dma_wait3A_247 = tpu.memref_squeeze %dma_wait3A_246 : memref<1x1x100x64xf32, #tpu.memory_space<vmem>> -> memref<100x64xf32, #tpu.memory_space<vmem>>
      %dma_wait3A_248 = arith.constant 0 : i32
      %dma_wait3A_249 = arith.constant 0 : i32
      %dma_wait3A_250 = tpu.memref_slice %arg2[%dma_wait3A_248, %dma_wait3A_249] : memref<1000000x64xf32, #tpu.memory_space<hbm>> -> memref<100x64xf32, #tpu.memory_space<hbm>>
      tpu.wait_dma2 semaphore(%arg7 : memref<!tpu.dma_semaphore, #tpu.memory_space<semaphore_mem>>) src(%dma_wait3A_250 : memref<100x64xf32, #tpu.memory_space<hbm>>) dst(%dma_wait3A_247 : memref<100x64xf32, #tpu.memory_space<vmem>>)
      %mul3A_251 = arith.constant 2 : i32
      %mul3A_252 = arith.muli %scan3A_125, %mul3A_251 : i32
      %add3A_253 = arith.addi %mul3A_2, %mul3A_252 : i32
      "tpu.region"() ({
        %run_scoped3A_255 = tpu.sem_alloc : memref<!tpu.dma_semaphore, #tpu.memory_space<semaphore_mem>>
        %dma_start3A_256 = arith.constant 0 : i32
        %dma_start3A_257 = arith.constant 0 : i32
        %dma_start3A_258 = arith.constant 0 : i32
        %dma_start3A_259 = tpu.memref_slice %arg6[%rem3A_127, %dma_start3A_256, %dma_start3A_257, %dma_start3A_258] : memref<2x2x200x64xf32, #tpu.memory_space<vmem>> -> memref<1x2x200x64xf32, #tpu.memory_space<vmem>>
        %dma_start3A_260 = tpu.memref_squeeze %dma_start3A_259 : memref<1x2x200x64xf32, #tpu.memory_space<vmem>> -> memref<2x200x64xf32, #tpu.memory_space<vmem>>
        %dma_start3A_261 = arith.constant 0 : i32
        %dma_start3A_262 = arith.constant 0 : i32
        %dma_start3A_263 = tpu.memref_slice %arg4[%add3A_253, %dma_start3A_261, %dma_start3A_262] : memref<4096x200x64xf32, #tpu.memory_space<hbm>> -> memref<2x200x64xf32, #tpu.memory_space<hbm>>
        %dma_start3A_264 = arith.constant 0 : i32
        %dma_start3A_265 = arith.constant 0 : i32
        %dma_start3A_266 = tpu.memref_slice %arg4[%add3A_253, %dma_start3A_264, %dma_start3A_265] : memref<4096x200x64xf32, #tpu.memory_space<hbm>> -> memref<2x200x64xf32, #tpu.memory_space<hbm>>
        %dma_start3A_267 = arith.constant 0 : i32
        %dma_start3A_268 = arith.constant 0 : i32
        %dma_start3A_269 = arith.constant 0 : i32
        %dma_start3A_270 = tpu.memref_slice %arg6[%rem3A_127, %dma_start3A_267, %dma_start3A_268, %dma_start3A_269] : memref<2x2x200x64xf32, #tpu.memory_space<vmem>> -> memref<1x2x200x64xf32, #tpu.memory_space<vmem>>
        %dma_start3A_271 = tpu.memref_squeeze %dma_start3A_270 : memref<1x2x200x64xf32, #tpu.memory_space<vmem>> -> memref<2x200x64xf32, #tpu.memory_space<vmem>>
        tpu.enqueue_dma source(%dma_start3A_271 : memref<2x200x64xf32, #tpu.memory_space<vmem>>) target(%dma_start3A_266 : memref<2x200x64xf32, #tpu.memory_space<hbm>>) target_semaphore(%run_scoped3A_255 : memref<!tpu.dma_semaphore, #tpu.memory_space<semaphore_mem>>)
        %dma_wait3A_272 = arith.constant 0 : i32
        %dma_wait3A_273 = arith.constant 0 : i32
        %dma_wait3A_274 = arith.constant 0 : i32
        %dma_wait3A_275 = tpu.memref_slice %arg6[%rem3A_127, %dma_wait3A_272, %dma_wait3A_273, %dma_wait3A_274] : memref<2x2x200x64xf32, #tpu.memory_space<vmem>> -> memref<1x2x200x64xf32, #tpu.memory_space<vmem>>
        %dma_wait3A_276 = tpu.memref_squeeze %dma_wait3A_275 : memref<1x2x200x64xf32, #tpu.memory_space<vmem>> -> memref<2x200x64xf32, #tpu.memory_space<vmem>>
        %dma_wait3A_277 = arith.constant 0 : i32
        %dma_wait3A_278 = arith.constant 0 : i32
        %dma_wait3A_279 = tpu.memref_slice %arg4[%add3A_253, %dma_wait3A_277, %dma_wait3A_278] : memref<4096x200x64xf32, #tpu.memory_space<hbm>> -> memref<2x200x64xf32, #tpu.memory_space<hbm>>
        %dma_wait3A_280 = arith.constant 0 : i32
        %dma_wait3A_281 = arith.constant 0 : i32
        %dma_wait3A_282 = tpu.memref_slice %arg4[%add3A_253, %dma_wait3A_280, %dma_wait3A_281] : memref<4096x200x64xf32, #tpu.memory_space<hbm>> -> memref<2x200x64xf32, #tpu.memory_space<hbm>>
        %dma_wait3A_283 = arith.constant 0 : i32
        %dma_wait3A_284 = arith.constant 0 : i32
        %dma_wait3A_285 = arith.constant 0 : i32
        %dma_wait3A_286 = tpu.memref_slice %arg6[%rem3A_127, %dma_wait3A_283, %dma_wait3A_284, %dma_wait3A_285] : memref<2x2x200x64xf32, #tpu.memory_space<vmem>> -> memref<1x2x200x64xf32, #tpu.memory_space<vmem>>
        %dma_wait3A_287 = tpu.memref_squeeze %dma_wait3A_286 : memref<1x2x200x64xf32, #tpu.memory_space<vmem>> -> memref<2x200x64xf32, #tpu.memory_space<vmem>>
        tpu.wait_dma2 semaphore(%run_scoped3A_255 : memref<!tpu.dma_semaphore, #tpu.memory_space<semaphore_mem>>) src(%dma_wait3A_287 : memref<2x200x64xf32, #tpu.memory_space<vmem>>) dst(%dma_wait3A_282 : memref<2x200x64xf32, #tpu.memory_space<hbm>>)
        tpu.yield
      }) : () -> ()
      %scan3A_254 = arith.constant 0 : i32
      scf.yield %scan3A_254 : i32
    }
    %scan3A_59 = arith.constant 63 : i32
    %dma_wait3A = arith.constant 1 : i32
    %dma_wait3A_60 = arith.constant 0 : i32
    %dma_wait3A_61 = arith.constant 0 : i32
    %dma_wait3A_62 = arith.constant 0 : i32
    %dma_wait3A_63 = tpu.memref_slice %arg6[%dma_wait3A, %dma_wait3A_60, %dma_wait3A_61, %dma_wait3A_62] : memref<2x2x200x64xf32, #tpu.memory_space<vmem>> -> memref<1x1x100x64xf32, #tpu.memory_space<vmem>>
    %dma_wait3A_64 = tpu.memref_squeeze %dma_wait3A_63 : memref<1x1x100x64xf32, #tpu.memory_space<vmem>> -> memref<100x64xf32, #tpu.memory_space<vmem>>
    %dma_wait3A_65 = arith.constant 0 : i32
    %dma_wait3A_66 = arith.constant 0 : i32
    %dma_wait3A_67 = tpu.memref_slice %arg2[%dma_wait3A_65, %dma_wait3A_66] : memref<1000000x64xf32, #tpu.memory_space<hbm>> -> memref<100x64xf32, #tpu.memory_space<hbm>>
    %dma_wait3A_68 = arith.constant 0 : i32
    %dma_wait3A_69 = arith.constant 0 : i32
    %dma_wait3A_70 = tpu.memref_slice %arg6[%dma_wait3A, %dma_wait3A_60, %dma_wait3A_68, %dma_wait3A_69] : memref<2x2x200x64xf32, #tpu.memory_space<vmem>> -> memref<1x1x100x64xf32, #tpu.memory_space<vmem>>
    %dma_wait3A_71 = tpu.memref_squeeze %dma_wait3A_70 : memref<1x1x100x64xf32, #tpu.memory_space<vmem>> -> memref<100x64xf32, #tpu.memory_space<vmem>>
    %dma_wait3A_72 = arith.constant 0 : i32
    %dma_wait3A_73 = arith.constant 0 : i32
    %dma_wait3A_74 = tpu.memref_slice %arg2[%dma_wait3A_72, %dma_wait3A_73] : memref<1000000x64xf32, #tpu.memory_space<hbm>> -> memref<100x64xf32, #tpu.memory_space<hbm>>
    tpu.wait_dma2 semaphore(%arg7 : memref<!tpu.dma_semaphore, #tpu.memory_space<semaphore_mem>>) src(%dma_wait3A_74 : memref<100x64xf32, #tpu.memory_space<hbm>>) dst(%dma_wait3A_71 : memref<100x64xf32, #tpu.memory_space<vmem>>)
    %dma_wait3A_75 = arith.constant 1 : i32
    %dma_wait3A_76 = arith.constant 0 : i32
    %dma_wait3A_77 = arith.constant 100 : i32
    %dma_wait3A_78 = arith.constant 0 : i32
    %dma_wait3A_79 = tpu.memref_slice %arg6[%dma_wait3A_75, %dma_wait3A_76, %dma_wait3A_77, %dma_wait3A_78] : memref<2x2x200x64xf32, #tpu.memory_space<vmem>> -> memref<1x1x100x64xf32, #tpu.memory_space<vmem>>
    %dma_wait3A_80 = tpu.memref_squeeze %dma_wait3A_79 : memref<1x1x100x64xf32, #tpu.memory_space<vmem>> -> memref<100x64xf32, #tpu.memory_space<vmem>>
    %dma_wait3A_81 = arith.constant 0 : i32
    %dma_wait3A_82 = arith.constant 0 : i32
    %dma_wait3A_83 = tpu.memref_slice %arg2[%dma_wait3A_81, %dma_wait3A_82] : memref<1000000x64xf32, #tpu.memory_space<hbm>> -> memref<100x64xf32, #tpu.memory_space<hbm>>
    %dma_wait3A_84 = arith.constant 100 : i32
    %dma_wait3A_85 = arith.constant 0 : i32
    %dma_wait3A_86 = tpu.memref_slice %arg6[%dma_wait3A_75, %dma_wait3A_76, %dma_wait3A_84, %dma_wait3A_85] : memref<2x2x200x64xf32, #tpu.memory_space<vmem>> -> memref<1x1x100x64xf32, #tpu.memory_space<vmem>>
    %dma_wait3A_87 = tpu.memref_squeeze %dma_wait3A_86 : memref<1x1x100x64xf32, #tpu.memory_space<vmem>> -> memref<100x64xf32, #tpu.memory_space<vmem>>
    %dma_wait3A_88 = arith.constant 0 : i32
    %dma_wait3A_89 = arith.constant 0 : i32
    %dma_wait3A_90 = tpu.memref_slice %arg2[%dma_wait3A_88, %dma_wait3A_89] : memref<1000000x64xf32, #tpu.memory_space<hbm>> -> memref<100x64xf32, #tpu.memory_space<hbm>>
    tpu.wait_dma2 semaphore(%arg7 : memref<!tpu.dma_semaphore, #tpu.memory_space<semaphore_mem>>) src(%dma_wait3A_90 : memref<100x64xf32, #tpu.memory_space<hbm>>) dst(%dma_wait3A_87 : memref<100x64xf32, #tpu.memory_space<vmem>>)
    %dma_wait3A_91 = arith.constant 1 : i32
    %dma_wait3A_92 = arith.constant 1 : i32
    %dma_wait3A_93 = arith.constant 0 : i32
    %dma_wait3A_94 = arith.constant 0 : i32
    %dma_wait3A_95 = tpu.memref_slice %arg6[%dma_wait3A_91, %dma_wait3A_92, %dma_wait3A_93, %dma_wait3A_94] : memref<2x2x200x64xf32, #tpu.memory_space<vmem>> -> memref<1x1x100x64xf32, #tpu.memory_space<vmem>>
    %dma_wait3A_96 = tpu.memref_squeeze %dma_wait3A_95 : memref<1x1x100x64xf32, #tpu.memory_space<vmem>> -> memref<100x64xf32, #tpu.memory_space<vmem>>
    %dma_wait3A_97 = arith.constant 0 : i32
    %dma_wait3A_98 = arith.constant 0 : i32
    %dma_wait3A_99 = tpu.memref_slice %arg2[%dma_wait3A_97, %dma_wait3A_98] : memref<1000000x64xf32, #tpu.memory_space<hbm>> -> memref<100x64xf32, #tpu.memory_space<hbm>>
    %dma_wait3A_100 = arith.constant 0 : i32
    %dma_wait3A_101 = arith.constant 0 : i32
    %dma_wait3A_102 = tpu.memref_slice %arg6[%dma_wait3A_91, %dma_wait3A_92, %dma_wait3A_100, %dma_wait3A_101] : memref<2x2x200x64xf32, #tpu.memory_space<vmem>> -> memref<1x1x100x64xf32, #tpu.memory_space<vmem>>
    %dma_wait3A_103 = tpu.memref_squeeze %dma_wait3A_102 : memref<1x1x100x64xf32, #tpu.memory_space<vmem>> -> memref<100x64xf32, #tpu.memory_space<vmem>>
    %dma_wait3A_104 = arith.constant 0 : i32
    %dma_wait3A_105 = arith.constant 0 : i32
    %dma_wait3A_106 = tpu.memref_slice %arg2[%dma_wait3A_104, %dma_wait3A_105] : memref<1000000x64xf32, #tpu.memory_space<hbm>> -> memref<100x64xf32, #tpu.memory_space<hbm>>
    tpu.wait_dma2 semaphore(%arg7 : memref<!tpu.dma_semaphore, #tpu.memory_space<semaphore_mem>>) src(%dma_wait3A_106 : memref<100x64xf32, #tpu.memory_space<hbm>>) dst(%dma_wait3A_103 : memref<100x64xf32, #tpu.memory_space<vmem>>)
    %dma_wait3A_107 = arith.constant 1 : i32
    %dma_wait3A_108 = arith.constant 1 : i32
    %dma_wait3A_109 = arith.constant 100 : i32
    %dma_wait3A_110 = arith.constant 0 : i32
    %dma_wait3A_111 = tpu.memref_slice %arg6[%dma_wait3A_107, %dma_wait3A_108, %dma_wait3A_109, %dma_wait3A_110] : memref<2x2x200x64xf32, #tpu.memory_space<vmem>> -> memref<1x1x100x64xf32, #tpu.memory_space<vmem>>
    %dma_wait3A_112 = tpu.memref_squeeze %dma_wait3A_111 : memref<1x1x100x64xf32, #tpu.memory_space<vmem>> -> memref<100x64xf32, #tpu.memory_space<vmem>>
    %dma_wait3A_113 = arith.constant 0 : i32
    %dma_wait3A_114 = arith.constant 0 : i32
    %dma_wait3A_115 = tpu.memref_slice %arg2[%dma_wait3A_113, %dma_wait3A_114] : memref<1000000x64xf32, #tpu.memory_space<hbm>> -> memref<100x64xf32, #tpu.memory_space<hbm>>
    %dma_wait3A_116 = arith.constant 100 : i32
    %dma_wait3A_117 = arith.constant 0 : i32
    %dma_wait3A_118 = tpu.memref_slice %arg6[%dma_wait3A_107, %dma_wait3A_108, %dma_wait3A_116, %dma_wait3A_117] : memref<2x2x200x64xf32, #tpu.memory_space<vmem>> -> memref<1x1x100x64xf32, #tpu.memory_space<vmem>>
    %dma_wait3A_119 = tpu.memref_squeeze %dma_wait3A_118 : memref<1x1x100x64xf32, #tpu.memory_space<vmem>> -> memref<100x64xf32, #tpu.memory_space<vmem>>
    %dma_wait3A_120 = arith.constant 0 : i32
    %dma_wait3A_121 = arith.constant 0 : i32
    %dma_wait3A_122 = tpu.memref_slice %arg2[%dma_wait3A_120, %dma_wait3A_121] : memref<1000000x64xf32, #tpu.memory_space<hbm>> -> memref<100x64xf32, #tpu.memory_space<hbm>>
    tpu.wait_dma2 semaphore(%arg7 : memref<!tpu.dma_semaphore, #tpu.memory_space<semaphore_mem>>) src(%dma_wait3A_122 : memref<100x64xf32, #tpu.memory_space<hbm>>) dst(%dma_wait3A_119 : memref<100x64xf32, #tpu.memory_space<vmem>>)
    %add3A_123 = arith.constant 126 : i32
    %add3A_124 = arith.addi %mul3A_2, %add3A_123 : i32
    %run_scoped3A = arith.constant 1 : i32
    "tpu.region"() ({
      %run_scoped3A_125 = tpu.sem_alloc : memref<!tpu.dma_semaphore, #tpu.memory_space<semaphore_mem>>
      %dma_start3A_126 = arith.constant 0 : i32
      %dma_start3A_127 = arith.constant 0 : i32
      %dma_start3A_128 = arith.constant 0 : i32
      %dma_start3A_129 = tpu.memref_slice %arg6[%run_scoped3A, %dma_start3A_126, %dma_start3A_127, %dma_start3A_128] : memref<2x2x200x64xf32, #tpu.memory_space<vmem>> -> memref<1x2x200x64xf32, #tpu.memory_space<vmem>>
      %dma_start3A_130 = tpu.memref_squeeze %dma_start3A_129 : memref<1x2x200x64xf32, #tpu.memory_space<vmem>> -> memref<2x200x64xf32, #tpu.memory_space<vmem>>
      %dma_start3A_131 = arith.constant 0 : i32
      %dma_start3A_132 = arith.constant 0 : i32
      %dma_start3A_133 = tpu.memref_slice %arg4[%add3A_124, %dma_start3A_131, %dma_start3A_132] : memref<4096x200x64xf32, #tpu.memory_space<hbm>> -> memref<2x200x64xf32, #tpu.memory_space<hbm>>
      %dma_start3A_134 = arith.constant 0 : i32
      %dma_start3A_135 = arith.constant 0 : i32
      %dma_start3A_136 = tpu.memref_slice %arg4[%add3A_124, %dma_start3A_134, %dma_start3A_135] : memref<4096x200x64xf32, #tpu.memory_space<hbm>> -> memref<2x200x64xf32, #tpu.memory_space<hbm>>
      %dma_start3A_137 = arith.constant 0 : i32
      %dma_start3A_138 = arith.constant 0 : i32
      %dma_start3A_139 = arith.constant 0 : i32
      %dma_start3A_140 = tpu.memref_slice %arg6[%run_scoped3A, %dma_start3A_137, %dma_start3A_138, %dma_start3A_139] : memref<2x2x200x64xf32, #tpu.memory_space<vmem>> -> memref<1x2x200x64xf32, #tpu.memory_space<vmem>>
      %dma_start3A_141 = tpu.memref_squeeze %dma_start3A_140 : memref<1x2x200x64xf32, #tpu.memory_space<vmem>> -> memref<2x200x64xf32, #tpu.memory_space<vmem>>
      tpu.enqueue_dma source(%dma_start3A_141 : memref<2x200x64xf32, #tpu.memory_space<vmem>>) target(%dma_start3A_136 : memref<2x200x64xf32, #tpu.memory_space<hbm>>) target_semaphore(%run_scoped3A_125 : memref<!tpu.dma_semaphore, #tpu.memory_space<semaphore_mem>>)
      %dma_wait3A_142 = arith.constant 0 : i32
      %dma_wait3A_143 = arith.constant 0 : i32
      %dma_wait3A_144 = arith.constant 0 : i32
      %dma_wait3A_145 = tpu.memref_slice %arg6[%run_scoped3A, %dma_wait3A_142, %dma_wait3A_143, %dma_wait3A_144] : memref<2x2x200x64xf32, #tpu.memory_space<vmem>> -> memref<1x2x200x64xf32, #tpu.memory_space<vmem>>
      %dma_wait3A_146 = tpu.memref_squeeze %dma_wait3A_145 : memref<1x2x200x64xf32, #tpu.memory_space<vmem>> -> memref<2x200x64xf32, #tpu.memory_space<vmem>>
      %dma_wait3A_147 = arith.constant 0 : i32
      %dma_wait3A_148 = arith.constant 0 : i32
      %dma_wait3A_149 = tpu.memref_slice %arg4[%add3A_124, %dma_wait3A_147, %dma_wait3A_148] : memref<4096x200x64xf32, #tpu.memory_space<hbm>> -> memref<2x200x64xf32, #tpu.memory_space<hbm>>
      %dma_wait3A_150 = arith.constant 0 : i32
      %dma_wait3A_151 = arith.constant 0 : i32
      %dma_wait3A_152 = tpu.memref_slice %arg4[%add3A_124, %dma_wait3A_150, %dma_wait3A_151] : memref<4096x200x64xf32, #tpu.memory_space<hbm>> -> memref<2x200x64xf32, #tpu.memory_space<hbm>>
      %dma_wait3A_153 = arith.constant 0 : i32
      %dma_wait3A_154 = arith.constant 0 : i32
      %dma_wait3A_155 = arith.constant 0 : i32
      %dma_wait3A_156 = tpu.memref_slice %arg6[%run_scoped3A, %dma_wait3A_153, %dma_wait3A_154, %dma_wait3A_155] : memref<2x2x200x64xf32, #tpu.memory_space<vmem>> -> memref<1x2x200x64xf32, #tpu.memory_space<vmem>>
      %dma_wait3A_157 = tpu.memref_squeeze %dma_wait3A_156 : memref<1x2x200x64xf32, #tpu.memory_space<vmem>> -> memref<2x200x64xf32, #tpu.memory_space<vmem>>
      tpu.wait_dma2 semaphore(%run_scoped3A_125 : memref<!tpu.dma_semaphore, #tpu.memory_space<semaphore_mem>>) src(%dma_wait3A_157 : memref<2x200x64xf32, #tpu.memory_space<vmem>>) dst(%dma_wait3A_152 : memref<2x200x64xf32, #tpu.memory_space<hbm>>)
      tpu.yield
    }) : () -> ()
    return
  }
}

</mosaic_0001>

<sc_bundles>
// kernel: kernel.3.cloned.1.call-start
scs
__scs_entry_jumppad:
0x0: {  	(pc) =	sbr.rel $0x88, $3  }
0x1: {  	(tag) =	ssettag $0x0;
	lr =	simm.s32 $0x1  }
0x2: {  	[smem:$0x3F9F] =	sst lr;
	_ =	strace $0xD0000000  }
0x3: {  	_ = 	snop  }
0x4: {  	_ = 	snop  }
0x5: {  	_ = 	snop  }
0x6: {  	_ = 	snop  }
0x7: {  	_ = 	snop  }
__scs_overlays_trampoline_lowered:
0x8: {  	[smem:$0x3FAE] =	sst s0  }
0x9: {  	[smem:$0x3FAF] =	sst s1  }
0xa: {  	[smem:$0x3FB0] =	sst s2  }
0xb: {  	[smem:$0x3FB1] =	sst s3  }
0xc: {  	[smem:$0x3FB2] =	sst s4  }
0xd: {  	[smem:$0x3FB3] =	sst s5  }
0xe: {  	[smem:$0x3FB4] =	sst s6  }
0xf: {  	[smem:$0x3FB5] =	sst s7  }
0x10: {  	[smem:$0x3FB6] =	sst s8  }
0x11: {  	[smem:$0x3FB7] =	sst s9;
	s0 =	simm.s32 @!p0 $0x0  }
0x12: {  	s1 =	sld [smem:$0x3F9D];
	s0 =	simm.s32 @p0 $0x1  }
0x13: {  	[smem:$0x3FB8] =	sst s0;
	s0 =	simm.s32 @!p1 $0x0  }
0x14: {  	s2 =	sld [smem:$0x3F9C];
	s0 =	simm.s32 @p1 $0x1  }
0x15: {  	[smem:$0x3FB9] =	sst s0;
	s0 =	simm.s32 @!p2 $0x0  }
0x16: {  	s3 =	sld [smem:$0x3FDB];
	s0 =	simm.s32 @p2 $0x1  }
0x17: {  	s4 =	simm.s32 $0x1BF5;
	[smem:$0x3FBB] =	sst s0  }
0x18: {  	s0 =	sld [smem:$0x3F9E];
	_ =	swait.ge [sflag:s4], $0x0  }
0x19: {  	s7 =	sld [smem:$0x3F9F]  }
0x1a: {  	s8 =	sadd.s32 $0xFFFFE003, lr  }
0x1b: {  	s9 =	sadd.s32 $0xFFFFFEF7, lr;
	s5 =	simm.s32 $0xFFFFFFFF;
	p2 =	slt.u32 s8, $0xFFFFF086  }
0x1c: {  	p1 =	slt.u32 s9, $0xF7A;
	s5 =	simm.s32 @!p2 $0x0  }
0x1d: {  	s5 =	simm.s32 @p1 $0x1;
	p0 =	seq.s32 s7, s2  }
0x1e: {  	s7 =	smul.u32 @!p0 $0xF7A, s2;
	p2 =	seq.s32 @!p0 s5, $0x0  }
0x1f: {  	s9 =	smul.u32 $0xF7A, s1;
	s8 =	simm.s32 @!p0 $0x1BF5;
	p2 =	por !p2, p0  }
0x20: {  	[sflag:s8] =	ssyncset.s32 @!p0 $0xFFFFF086;
	s6 =	sadd.s32 @!p0 s3, s7;
	s7 =	simm.s32 @!p0 $0x108  }
0x21: {  	s3 =	sadd.s32 s3, s9;
	s6 =	sadd.s32 @!p0 $0x88, s6;
	s7 =	simm.s32 @p2 $0x1082  }
0x22: {  	[simem:s7], [sflag:s8] =	dma.local @!p0 [hbm:s6], $0xF7A  }
0x23: {  	s9 =	sor.u32 $0xD0000000, s2;
	s6 =	simm.s32 $0x108;
	_ =	swait.ge @!p0 [sflag:s8], $0x0  }
0x24: {  	s3 =	sadd.s32 $0x88, s3;
	s6 =	simm.s32 @!p1 $0x1082;
	[sflag:s4] =	ssyncset.s32 $0xFFFFF086  }
0x25: {  	[simem:s6], [sflag:s4] =	dma.local [hbm:s3], $0xF7A  }
0x26: {  	[smem:$0x3F9F] =	sst s1;
	(tag) =	ssettag s2;
	_ =	strace s9  }
0x27: {  	s1 =	sld [smem:$0x3FAF]  }
0x28: {  	s2 =	sld [smem:$0x3FB0]  }
0x29: {  	s4 =	sld [smem:$0x3FB2]  }
0x2a: {  	p0 =	seq.s32 s5, $0x0;
	s5 =	sld [smem:$0x3FB3]  }
0x2b: {  	s6 =	sld [smem:$0x3FB4]  }
0x2c: {  	s7 =	sld [smem:$0x3FB5]  }
0x2d: {  	s3 =	simm.s32 $0x108;
	s8 =	sld [smem:$0x3FB6]  }
0x2e: {  	s3 =	simm.s32 @!p0 $0x1082;
	s9 =	sld [smem:$0x3FB7]  }
0x2f: {  	lr =	sadd.s32 s0, s3;
	s0 =	sld [smem:$0x3FAE]  }
0x30: {  	s3 =	sld [smem:$0x3FB1]  }
0x31: {  	[smem:$0x3FBA] =	sst s10  }
0x32: {  	s10 =	sld [smem:$0x3FB8];
	_ =	sdelay $0x3  }
0x33: {  	p0 =	seq.s32 s10, $0x1;
	s10 =	sld [smem:$0x3FBA];
	_ =	sdelay $0x3  }
0x34: {  	[smem:$0x3FBA] =	sst s10  }
0x35: {  	s10 =	sld [smem:$0x3FB9];
	_ =	sdelay $0x3  }
0x36: {  	p1 =	seq.s32 s10, $0x1;
	s10 =	sld [smem:$0x3FBA];
	_ =	sdelay $0x3  }
0x37: {  	[smem:$0x3FBA] =	sst s10  }
0x38: {  	s10 =	sld [smem:$0x3FBB]  }
0x39: {  	_ = 	snop;
	(pc) =	sbr.ind lr, $3  }
0x3a: {  	_ = 	snop  }
0x3b: {  	_ = 	snop  }
0x3c: {  	p2 =	seq.s32 s10, $0x1;
	s10 =	sld [smem:$0x3FBA]  }
0x3d: {  	_ =	shalt  }
0x3e: {  	_ =	shalt  }
0x3f: {  	_ =	shalt  }
0x40: {  	_ =	shalt  }
0x41: {  	_ =	shalt  }
0x42: {  	_ =	shalt  }
0x43: {  	_ =	shalt  }
0x44: {  	_ =	shalt  }
0x45: {  	_ =	shalt  }
0x46: {  	_ =	shalt  }
0x47: {  	_ =	shalt  }
0x48: {  	_ =	shalt  }
0x49: {  	_ =	shalt  }
0x4a: {  	_ =	shalt  }
0x4b: {  	_ =	shalt  }
0x4c: {  	_ =	shalt  }
0x4d: {  	_ =	shalt  }
0x4e: {  	_ =	shalt  }
0x4f: {  	_ =	shalt  }
0x50: {  	_ =	shalt  }
0x51: {  	_ =	shalt  }
0x52: {  	_ =	shalt  }
0x53: {  	_ =	shalt  }
0x54: {  	_ =	shalt  }
0x55: {  	_ =	shalt  }
0x56: {  	_ =	shalt  }
0x57: {  	_ =	shalt  }
0x58: {  	_ =	shalt  }
0x59: {  	_ =	shalt  }
0x5a: {  	_ =	shalt  }
0x5b: {  	_ =	shalt  }
0x5c: {  	_ =	shalt  }
0x5d: {  	_ =	shalt  }
0x5e: {  	_ =	shalt  }
0x5f: {  	_ =	shalt  }
0x60: {  	_ =	shalt  }
0x61: {  	_ =	shalt  }
0x62: {  	_ =	shalt  }
0x63: {  	_ =	shalt  }
0x64: {  	_ =	shalt  }
0x65: {  	_ =	shalt  }
0x66: {  	_ =	shalt  }
0x67: {  	_ =	shalt  }
0x68: {  	_ =	shalt  }
0x69: {  	_ =	shalt  }
0x6a: {  	_ =	shalt  }
0x6b: {  	_ =	shalt  }
0x6c: {  	_ =	shalt  }
0x6d: {  	_ =	shalt  }
0x6e: {  	_ =	shalt  }
0x6f: {  	_ =	shalt  }
0x70: {  	_ =	shalt  }
0x71: {  	_ =	shalt  }
0x72: {  	_ =	shalt  }
0x73: {  	_ =	shalt  }
0x74: {  	_ =	shalt  }
0x75: {  	_ =	shalt  }
0x76: {  	_ =	shalt  }
0x77: {  	_ =	shalt  }
0x78: {  	_ =	shalt  }
0x79: {  	_ =	shalt  }
0x7a: {  	_ =	shalt  }
0x7b: {  	_ =	shalt  }
0x7c: {  	_ =	shalt  }
0x7d: {  	_ =	shalt  }
0x7e: {  	_ =	shalt  }
0x7f: {  	_ =	shalt  }
0x80: {  	_ =	shalt  }
0x81: {  	_ =	shalt  }
0x82: {  	_ =	shalt  }
0x83: {  	_ =	shalt  }
0x84: {  	_ =	shalt  }
0x85: {  	_ =	shalt  }
0x86: {  	_ =	shalt  }
0x87: {  	_ =	shalt  }
.Lfunc_end0:
.L_simem_size_0:
called_computation.1_lowered:
.L_overlay_start_0:
0x88: {  	s2 =	sld [smem:$0x3FD9]  }
0x89: {  	s3 =	sld [smem:$0x3FFE];
	_ =	sdelay $0x1  }
0x8a: {  	s1 =	srdreg.scid  }
0x8b: {  	s0 =	sand.u32 $0x1, s1  }
0x8c: {  	s17 =	sshll.u32 s0, $0xA;
	s2 =	sadd.s32 s3, s2  }
0x8d: {  	s2 =	sadd.s32 s2, s17  }
0x8e: {  	[smem:$0x3FC6] =	sst s2  }
0x8f: {  	_ = 	snop  }
0x90: {  	s2 =	sld [smem:$0x3FD0];
	(tm) =	ssettm $0x1  }
0x91: {  	s18 =	sld [smem:$0x3FFB];
	_ =	sdelay $0x3  }
0x92: {  	_ =	strace s18  }
0x93: {  	s3 =	sld [smem:$0x3FFC];
	_ =	sdelay $0x3  }
0x94: {  	_ =	strace s3  }
0x95: {  	s3 =	sld [smem:$0x3FFD];
	_ =	sdelay $0x3  }
0x96: {  	_ =	strace s3  }
0x97: {  	_ =	strace $0x8FFFFFFF  }
0x98: {  	s19 =	sld [smem:$0x3FDB];
	_ =	sdelay $0x1  }
0x99: {  	s4 =	simm.s32 $_scs_section_size  }
0x9a: {  	s5 =	simm.s32 $_size__tile_overlayer_lowered;
	s6 =	simm.s32 $_tile_overlayer_lowered  }
0x9b: {  	s22 =	simm.s32 $0x1BFF;
	s21 =	sshll.u32 s6, $0x1;
	s3 =	sadd.s32 s4, s19  }
0x9c: {  	s7 =	simm.s32 $0x0;
	s20 =	sshll.u32 s5, $0x1;
	s5 =	sadd.s32 s21, s3  }
0x9d: {  	[timem:s7], [sflag:s22] =	dma.local [hbm:s5], s20  }
0x9e: {  	_ =	swait.ge [sflag:s22], s20  }
0x9f: {  	s4 =	ssub.s32 $0x0, s20;
	[sflag:s22] =	ssyncset.done $0x0  }
0xa0: {  	[sflag:s22] =	ssyncadd.s32 s4;
	_ =	sdelay $0x1  }
0xa1: {  	s23 =	simm.s32 $0x1B8B  }
0xa2: {  	_ =	swait.ge [sflag:s23], $0x1  }
0xa3: {  	[sflag:s23] =	ssyncset.done $0x0  }
0xa4: {  	s25 =	simm.s32 $0x1B8E;
	s24 =	sld [smem:$0x3FFE];
	[sflag:s23] =	ssyncadd.s32 $0xFFFFFFFF  }
0xa5: {  	s26 =	simm.s32 $execute0_lowered;
	[smem:$0x3FD2] =	sst s25  }
0xa6: {  	s5 =	sshll.u32 s26, $0x1;
	_ =	strace $0x80000046;
	[dreg:$0x1] =	wrdreg $0xFFFFFFFF  }
0xa7: {  	s28 =	simm.s32 $_size_execute0_lowered;
	s3 =	sadd.s32 s3, s5;
	[dreg:$0x0] =	wrdreg $0x0  }
0xa8: {  	s5 =	sshll.u32 s28, $0x1;
	[dreg:$0x2] =	wrdreg s3  }
0xa9: {  	[dreg:$0x3] =	wrdreg s5  }
0xaa: {  	[dreg:$0x4] =	wrdreg $0xC0  }
0xab: {  	_ =	task [dreg:s7], $0x5FFFF  }
0xac: {  	[dreg:$0x1] =	wrdreg $0xFFFFFFFF  }
0xad: {  	[dreg:$0x0] =	wrdreg $0x60  }
0xae: {  	[dreg:$0x2] =	wrdreg s24  }
0xaf: {  	[dreg:$0x3] =	wrdreg s2  }
0xb0: {  	[dreg:$0x4] =	wrdreg $0x9  }
0xb1: {  	_ =	task.clear_ibuf [dreg:s7], $0x5FFFF;
	_ =	strace $0x90000046  }
0xb2: {  	s29 =	simm.s32 $0x9;
	_ =	strace $0x80000048  }
0xb3: {  	_ =	swait.ge [sflag:s29], $0x1  }
0xb4: {  	[sflag:s29] =	ssyncadd.s32 $0xFFFFFFFF  }
0xb5: {  	_ =	strace $0x90000048  }
0xb6: {  	_ =	sfence  }
0xb7: {  	s30 =	sld [smem:$0x0];
	_ =	sdelay $0x2  }
0xb8: {  	s31 =	sshll.u32 s1, $0xD;
	s1 =	sshrl.u32 s1, $0x2  }
0xb9: {  	s3 =	sand.u32 $0x4000, s31;
	s1 =	sadd.s32 s1, s30  }
0xba: {  	s0 =	sor.u32 s3, s0;
	s1 =	sshll.u32 s1, $0x11  }
0xbb: {  	s0 =	sor.u32 s1, s0  }
0xbc: {  	s0 =	sadd.s32 $0x8F2B, s0  }
0xbd: {  	[sflag:s0] =	ssyncadd.remote.s32 $0x1  }
0xbe: {  	_ =	sfence.sel $0xFFFF  }
0xbf: {  	[dreg:$0x0] =	wrdreg $0xFFFFFFFF;
	(pc) =	sbr.abs _section_cstart, $3  }
0xc0: {  	[dreg:$0x1] =	wrdreg $0xFFFFFFFF  }
0xc1: {  	_ =	task.clear_ibuf [dreg:s7], $0x2FFFF;
	_ =	strace $0x9FFFFFFF  }
0xc2: {  	(tm) =	ssettm $0x7FFFFFFF  }
0xc3: {  	_ =	shalt  }
tec
execute0_lowered:
.L_overlay_start_1:
0x0: {  	(tag) =	ssettag $0x1  }
0x1: {  	s4 =	rddreg [dreg:$0x0]  }
0x2: {  	s5 =	rddreg [dreg:$0x1]  }
0x3: {  	s0 =	rddreg [dreg:$0x2]  }
0x4: {  	s3 =	srdreg.scid;
	s1 =	stileid.u32;
	s2 =	simm.s32 $0x0  }
0x5: {  	s11 =	simm.s32 $0x68;
	s12 =	simm.s32 $0x8100;
	s13 =	simm.s32 $0xD0  }
0x6: {  	s14 =	simm.s32 $0x9A00;
	s15 =	simm.s32 $0x138;
	s16 =	simm.s32 $0xB300  }
0x7: {  	s17 =	simm.s32 $0x1;
	s18 =	simm.s32 $0xCC00;
	s19 =	simm.s32 $0x0  }
0x8: {  	s6 =	sand.u32 $0x1, s3;
	s26 =	sshll.u32 s1, $0x1;
	s10 =	smul.u32 $0x64000, s1  }
0x9: {  	[smem:$0x7FF] =	sst s2;
	s7 =	sor.u32 s6, s26;
	s29 =	smul.u32 $0x32000, s6  }
0xa: {  	s3 =	sadd.s32 $0xF42E00, s4;
	s9 =	ssub.s32 $0x2, s6;
	s8 =	smul.u32 $0xD00, s7  }
0xb: {  	_ =	strace $0x80000047;
	s7 =	smul.u32 $0x190000, s7;
	s28 =	sshrl.u32 s9, $0x1  }
0xc: {  	s31 =	sadd.s32 s10, s5;
	s10 =	simm.s32 $0x6800;
	s4 =	sadd.s32 s8, s4  }
0xd: {  	s8 =	ssub.s32 s9, s28;
	s7 =	sshrl.u32 s7, $0x3;
	s9 =	simm.s32 $0x64  }
0xe: {  	s4 =	sadd.s32 $0xA00, s4;
	s30 =	sadd.s32 s5, s7;
	s6 =	smax.u32 s8, $0x1  }
0xf: {  	s7 =	sadd.s32 s29, s31;
	s8 =	simm.s32 $0x2;
	s5 =	sadd.s32 $0x31380, s30  }
.LBB2_1:
0x10: {  	[tilespmem:s2], [sflag:$0x2] =	stream.linear.gather [hbm4b:s4+s2], $0x6800, $0x38;
	[tilespmem:$0x13000] =	vst v63  }
0x11: {  	_ =	swait.ge [sflag:s8], $0x6800  }
0x12: {  	[sflag:s8] =	ssyncset.done $0x0  }
0x13: {  	s20 =	sand.u32 $0x1, s2;
	[sflag:s8] =	ssyncadd.s32 $0xFFFF9800  }
0x14: {  	[tilespmem:s10], [sflag:$0x1] =	stream.indirect.gather [hbm4b:s3+s9], $0x40, s2, s9, $0xb8;
	[tilespmem:$0x13000] =	vst v63  }
0x15: {  	s21 =	sxor.u32 $0x1, s20  }
0x16: {  	[tilespmem:s12], [sflag:$0x1] =	stream.indirect.gather [hbm4b:s3+s9], $0x40, s11, s9, $0xb8;
	[tilespmem:$0x13000] =	vst v63  }
0x17: {  	s21 =	smul.u32 $0x19000, s21  }
0x18: {  	[tilespmem:s14], [sflag:$0x1] =	stream.indirect.gather [hbm4b:s3+s9], $0x40, s13, s9, $0xb8;
	[tilespmem:$0x13000] =	vst v63  }
0x19: {  	s21 =	sshrl.u32 s21, $0x2  }
0x1a: {  	[tilespmem:s16], [sflag:$0x1] =	stream.indirect.gather [hbm4b:s3+s9], $0x40, s15, s9, $0xb8;
	[tilespmem:$0x13000] =	vst v63  }
0x1b: {  	s23 =	simm.s32 $0x1A0;
	s22 =	sadd.s32 $0x6800, s21  }
0x1c: {  	[tilespmem:s22], [sflag:$0x1] =	stream.indirect.gather [hbm4b:s3+s9], $0x40, s23, s9, $0xb8;
	[tilespmem:$0x13000] =	vst v63  }
0x1d: {  	s25 =	simm.s32 $0x208;
	s24 =	sor.u32 $0x8100, s21  }
0x1e: {  	[tilespmem:s24], [sflag:$0x1] =	stream.indirect.gather [hbm4b:s3+s9], $0x40, s25, s9, $0xb8;
	[tilespmem:$0x13000] =	vst v63  }
0x1f: {  	s28 =	simm.s32 $0x270;
	s26 =	sadd.s32 $0x9A00, s21  }
0x20: {  	[tilespmem:s26], [sflag:$0x1] =	stream.indirect.gather [hbm4b:s3+s9], $0x40, s28, s9, $0xb8;
	[tilespmem:$0x13000] =	vst v63  }
0x21: {  	s29 =	simm.s32 $0x2D8;
	s21 =	sadd.s32 $0xB300, s21  }
0x22: {  	[tilespmem:s21], [sflag:$0x1] =	stream.indirect.gather [hbm4b:s3+s9], $0x40, s29, s9, $0xb8;
	[tilespmem:$0x13000] =	vst v63  }
0x23: {  	_ =	swait.ge [sflag:s17], $0x1900  }
0x24: {  	[sflag:s17] =	ssyncset.done $0x0  }
0x25: {  	[sflag:s17] =	ssyncadd.s32 $0xFFFFE700  }
0x26: {  	_ =	swait.ge [sflag:s17], $0x1900  }
0x27: {  	[sflag:s17] =	ssyncset.done $0x0  }
0x28: {  	s20 =	smul.u32 $0x19000, s20;
	[sflag:s17] =	ssyncadd.s32 $0xFFFFE700  }
0x29: {  	_ =	swait.ge [sflag:s17], $0x1900  }
0x2a: {  	s20 =	sshrl.u32 s20, $0x2;
	s21 =	simm.s32 $0x1;
	[sflag:s17] =	ssyncset.done $0x0  }
0x2b: {  	s20 =	sadd.s32 $0x6800, s20;
	s30 =	sand.u32 $0x1, s21;
	[sflag:s17] =	ssyncadd.s32 $0xFFFFE700  }
0x2c: {  	s23 =	simm.s32 $0x680;
	s22 =	smul.u32 $0x19000, s30;
	_ =	swait.ge [sflag:s17], $0x1900  }
0x2d: {  	s25 =	simm.s32 $0xD00;
	s31 =	sxor.u32 $0x1, s30;
	[sflag:s17] =	ssyncset.done $0x0  }
0x2e: {  	s24 =	smul.u32 $0x19000, s31;
	s22 =	sshrl.u32 s22, $0x2;
	[sflag:s17] =	ssyncadd.s32 $0xFFFFE700  }
0x2f: {  	[hbm4b:s7+s2] =	stream.linear.scatter [tilespmem:s20], [sflag:$0x2], $0x6400, $0x38;
	[tilespmem:$0x13000] =	vst v63  }
0x30: {  	s24 =	sshrl.u32 s24, $0x2;
	s20 =	sadd.s32 $0xC80, s7;
	_ =	swait.ge [sflag:s8], $0x6400  }
.LBB2_2:
0x31: {  	s26 =	sadd.s32 $0x6800, s24;
	s28 =	sshra.s32 s23, $0x2  }
0x32: {  	[sflag:s8] =	ssyncset.done $0x0;
	s23 =	smov.u32 s25;
	s29 =	smov.u32 s20  }
0x33: {  	s30 =	sadd.s32 $0x680, s25;
	s31 =	sadd.s32 $0x1A0, s28;
	[sflag:s8] =	ssyncadd.s32 $0xFFFF9C00  }
0x34: {  	[tilespmem:s26], [sflag:$0x1] =	stream.indirect.gather [hbm4b:s3+s9], $0x40, s31, s9, $0xb8;
	[tilespmem:$0x13000] =	vst v63  }
0x35: {  	p0 =	sne.s32 s25, $0x19300;
	s25 =	sor.u32 $0x8100, s24;
	s26 =	sadd.s32 $0x208, s28  }
0x36: {  	[tilespmem:s25], [sflag:$0x1] =	stream.indirect.gather [hbm4b:s3+s9], $0x40, s26, s9, $0xb8;
	[tilespmem:$0x13000] =	vst v63  }
0x37: {  	s25 =	sadd.s32 $0x9A00, s24;
	s26 =	sadd.s32 $0x270, s28  }
0x38: {  	[tilespmem:s25], [sflag:$0x1] =	stream.indirect.gather [hbm4b:s3+s9], $0x40, s26, s9, $0xb8;
	[tilespmem:$0x13000] =	vst v63  }
0x39: {  	s24 =	sadd.s32 $0xB300, s24;
	s25 =	sadd.s32 $0x2D8, s28  }
0x3a: {  	[tilespmem:s24], [sflag:$0x1] =	stream.indirect.gather [hbm4b:s3+s9], $0x40, s25, s9, $0xb8;
	[tilespmem:$0x13000] =	vst v63  }
0x3b: {  	_ =	swait.ge [sflag:s17], $0x1900  }
0x3c: {  	[sflag:s17] =	ssyncset.done $0x0  }
0x3d: {  	[sflag:s17] =	ssyncadd.s32 $0xFFFFE700  }
0x3e: {  	_ =	swait.ge [sflag:s17], $0x1900  }
0x3f: {  	[sflag:s17] =	ssyncset.done $0x0  }
0x40: {  	[sflag:s17] =	ssyncadd.s32 $0xFFFFE700  }
0x41: {  	_ =	swait.ge [sflag:s17], $0x1900  }
0x42: {  	s21 =	sadd.s32 $0x1, s21;
	[sflag:s17] =	ssyncset.done $0x0  }
0x43: {  	s22 =	sadd.s32 $0x6800, s22;
	s20 =	sadd.s32 $0xC80, s20;
	[sflag:s17] =	ssyncadd.s32 $0xFFFFE700  }
.Ltmp0:
0x44: {  	s24 =	sand.u32 $0x1, s21;
	_ =	swait.ge [sflag:s17], $0x1900;
	(pc) =	sbr.rel @p0 .LBB2_2-.Ltmp0, $4  }
0x45: {  	s25 =	sxor.u32 $0x1, s24;
	s26 =	smul.u32 $0x19000, s24;
	[sflag:s17] =	ssyncset.done $0x0  }
0x46: {  	s24 =	smul.u32 $0x19000, s25;
	s25 =	smov.u32 s30;
	[sflag:s17] =	ssyncadd.s32 $0xFFFFE700  }
0x47: {  	[hbm4b:s29+s2] =	stream.linear.scatter [tilespmem:s22], [sflag:$0x2], $0x6400, $0x38;
	[tilespmem:$0x13000] =	vst v63  }
0x48: {  	s24 =	sshrl.u32 s24, $0x2;
	s22 =	sshrl.u32 s26, $0x2;
	_ =	swait.ge [sflag:s8], $0x6400  }
0x49: {  	s21 =	sshra.s32 s23, $0x2;
	[sflag:s8] =	ssyncset.done $0x0  }
0x4a: {  	s31 =	sadd.s32 $0x6800, s24;
	s25 =	sadd.s32 $0x1A0, s21;
	[sflag:s8] =	ssyncadd.s32 $0xFFFF9C00  }
0x4b: {  	[tilespmem:s31], [sflag:$0x1] =	stream.indirect.gather [hbm4b:s3+s9], $0x40, s25, s9, $0xb8;
	[tilespmem:$0x13000] =	vst v63  }
0x4c: {  	s26 =	sadd.s32 $0x208, s21;
	s25 =	sor.u32 $0x8100, s24  }
0x4d: {  	[tilespmem:s25], [sflag:$0x1] =	stream.indirect.gather [hbm4b:s3+s9], $0x40, s26, s9, $0xb8;
	[tilespmem:$0x13000] =	vst v63  }
0x4e: {  	s28 =	sadd.s32 $0x9A00, s24;
	s29 =	sadd.s32 $0x270, s21  }
0x4f: {  	[tilespmem:s28], [sflag:$0x1] =	stream.indirect.gather [hbm4b:s3+s9], $0x40, s29, s9, $0xb8;
	[tilespmem:$0x13000] =	vst v63  }
0x50: {  	s30 =	sadd.s32 $0xB300, s24;
	s21 =	sadd.s32 $0x2D8, s21  }
0x51: {  	[tilespmem:s30], [sflag:$0x1] =	stream.indirect.gather [hbm4b:s3+s9], $0x40, s21, s9, $0xb8;
	[tilespmem:$0x13000] =	vst v63  }
0x52: {  	_ =	swait.ge [sflag:s17], $0x1900  }
0x53: {  	[sflag:s17] =	ssyncset.done $0x0  }
0x54: {  	[sflag:s17] =	ssyncadd.s32 $0xFFFFE700  }
0x55: {  	_ =	swait.ge [sflag:s17], $0x1900  }
0x56: {  	[sflag:s17] =	ssyncset.done $0x0  }
0x57: {  	[sflag:s17] =	ssyncadd.s32 $0xFFFFE700  }
0x58: {  	_ =	swait.ge [sflag:s17], $0x1900  }
0x59: {  	[sflag:s17] =	ssyncset.done $0x0  }
0x5a: {  	[sflag:s17] =	ssyncadd.s32 $0xFFFFE700  }
0x5b: {  	_ =	swait.ge [sflag:s17], $0x1900  }
0x5c: {  	[sflag:s17] =	ssyncset.done $0x0  }
0x5d: {  	s31 =	sadd.s32 $0x6800, s22;
	[sflag:s17] =	ssyncadd.s32 $0xFFFFE700  }
0x5e: {  	[hbm4b:s20+s2] =	stream.linear.scatter [tilespmem:s31], [sflag:$0x2], $0x6400, $0x38;
	[tilespmem:$0x13000] =	vst v63  }
0x5f: {  	_ =	swait.ge [sflag:s8], $0x6400  }
0x60: {  	[sflag:s8] =	ssyncset.done $0x0  }
0x61: {  	[sflag:s8] =	ssyncadd.s32 $0xFFFF9C00  }
0x62: {  	_ =	swait.ge [sflag:s17], $0x1900  }
0x63: {  	[sflag:s17] =	ssyncset.done $0x0  }
0x64: {  	[sflag:s17] =	ssyncadd.s32 $0xFFFFE700  }
0x65: {  	_ =	swait.ge [sflag:s17], $0x1900  }
0x66: {  	[sflag:s17] =	ssyncset.done $0x0  }
0x67: {  	[sflag:s17] =	ssyncadd.s32 $0xFFFFE700  }
0x68: {  	_ =	swait.ge [sflag:s17], $0x1900  }
0x69: {  	[sflag:s17] =	ssyncset.done $0x0  }
0x6a: {  	[sflag:s17] =	ssyncadd.s32 $0xFFFFE700  }
0x6b: {  	s19 =	sadd.s32 $0x1, s19;
	_ =	swait.ge [sflag:s17], $0x1900  }
0x6c: {  	p0 =	sne.s32 s19, s6;
	[sflag:s17] =	ssyncset.done $0x0  }
.Ltmp1:
0x6d: {  	[sflag:s17] =	ssyncadd.s32 $0xFFFFE700;
	(pc) =	sbr.rel @p0 .LBB2_1-.Ltmp1, $4  }
0x6e: {  	[hbm4b:s5+s2] =	stream.linear.scatter [tilespmem:s18], [sflag:$0x2], $0x6400, $0x38;
	[tilespmem:$0x13000] =	vst v63  }
0x6f: {  	_ =	swait.ge [sflag:s8], $0x6400  }
0x70: {  	[sflag:s8] =	ssyncset.done $0x0  }
0x71: {  	[sflag:s8] =	ssyncadd.s32 $0xFFFF9C00  }
0x72: {  	_ =	sfence.sel $0x180000  }
0x73: {  	[bflag:$0x0] =	sbarrier.arrive $0xFFFF  }
0x74: {  	p0 =	sne.s32 s1, $0x0;
	_ =	strace $0x90000047  }
0x75: {  	s0 =	sadd.s32 @!p0 $0x100000, s0;
	[bflag:$0x2] =	sbarrier.arrive $0xFFFF  }
0x76: {  	[sflag:s0] =	ssyncadd.tile.s32 @!p0 $0x1;
	_ =	shalt  }
.Lfunc_end2:
_tile_overlayer_lowered:
.L_overlay_start_2:
0x77: {  	(tag) =	ssettag $0x2  }
0x78: {  	s0 =	rddreg [dreg:$0x0];
	s2 =	stileid.u32  }
0x79: {  	s1 =	rddreg [dreg:$0x1];
	p0 =	sne.s32 s2, $0x0  }
0x7a: {  	s3 =	rddreg [dreg:$0x2];
	[bflag:$0x3] =	sbarrier.arrive $0xFFFF;
	s2 =	simm.s32 @!p0 $0x1C02  }
0x7b: {  	[timem:s3], [sflag:s2] =	dma.local @!p0 [hbm:s0], s1  }
0x7c: {  	s0 =	simm.s32 @!p0 $0x2  }
0x7d: {  	_ =	swait.ge @!p0 [sflag:s0], s1  }
0x7e: {  	s1 =	ssub.s32 @!p0 $0x0, s1;
	[sflag:s0] =	ssyncset.done @!p0 $0x0  }
0x7f: {  	[sflag:s0] =	ssyncadd.s32 @!p0 s1  }
0x80: {  	[bflag:$0x3] =	sbarrier.arrive $0xFFFF  }
0x81: {  	_ =	shalt  }

// kernel: sparse-core-data-format-call.cloned.1.call-start
scs
called_computation_lowered:
.L_overlay_start_0:
0x0: {  	s2 =	sld [smem:$0x3FD9]  }
0x1: {  	s3 =	sld [smem:$0x3FFE];
	_ =	sdelay $0x1  }
0x2: {  	s1 =	srdreg.scid  }
0x3: {  	s0 =	sand.u32 $0x1, s1  }
0x4: {  	s18 =	sshll.u32 s0, $0xA;
	s2 =	sadd.s32 s3, s2  }
0x5: {  	s2 =	sadd.s32 s2, s18  }
0x6: {  	[smem:$0x3FC6] =	sst s2  }
0x7: {  	_ = 	snop  }
0x8: {  	s2 =	sld [smem:$0x3FD0];
	(tm) =	ssettm $0x1  }
0x9: {  	s19 =	sld [smem:$0x3FFB];
	_ =	sdelay $0x3  }
0xa: {  	_ =	strace s19  }
0xb: {  	s3 =	sld [smem:$0x3FFC];
	_ =	sdelay $0x3  }
0xc: {  	_ =	strace s3  }
0xd: {  	s3 =	sld [smem:$0x3FFD];
	_ =	sdelay $0x3  }
0xe: {  	_ =	strace s3  }
0xf: {  	_ =	strace $0x8FFFFFFF  }
0x10: {  	s20 =	sld [smem:$0x3FDB];
	_ =	sdelay $0x1  }
0x11: {  	s4 =	simm.s32 $_scs_section_size  }
0x12: {  	s5 =	simm.s32 $_size__tile_overlayer_lowered;
	s6 =	simm.s32 $_tile_overlayer_lowered  }
0x13: {  	s23 =	simm.s32 $0x1BFF;
	s22 =	sshll.u32 s6, $0x1;
	s3 =	sadd.s32 s4, s20  }
0x14: {  	s7 =	simm.s32 $0x0;
	s21 =	sshll.u32 s5, $0x1;
	s5 =	sadd.s32 s22, s3  }
0x15: {  	[timem:s7], [sflag:s23] =	dma.local [hbm:s5], s21  }
0x16: {  	_ =	swait.ge [sflag:s23], s21  }
0x17: {  	s4 =	ssub.s32 $0x0, s21;
	[sflag:s23] =	ssyncset.done $0x0  }
0x18: {  	[sflag:s23] =	ssyncadd.s32 s4;
	_ =	sdelay $0x1  }
0x19: {  	s24 =	simm.s32 $0x1B8B  }
0x1a: {  	_ =	swait.ge [sflag:s24], $0x1  }
0x1b: {  	[sflag:s24] =	ssyncset.done $0x0  }
0x1c: {  	s26 =	simm.s32 $0x1B8E;
	s25 =	sld [smem:$0x3FFE];
	[sflag:s24] =	ssyncadd.s32 $0xFFFFFFFF  }
0x1d: {  	s27 =	simm.s32 $execute0_lowered;
	[smem:$0x3FD2] =	sst s26  }
0x1e: {  	s5 =	sshll.u32 s27, $0x1;
	_ =	strace $0x80000049;
	[dreg:$0x1] =	wrdreg $0xFFFFFFFF  }
0x1f: {  	s28 =	simm.s32 $_size_execute0_lowered;
	s3 =	sadd.s32 s3, s5;
	[dreg:$0x0] =	wrdreg $0x0  }
0x20: {  	s5 =	sshll.u32 s28, $0x1;
	[dreg:$0x2] =	wrdreg s3  }
0x21: {  	[dreg:$0x3] =	wrdreg s5  }
0x22: {  	[dreg:$0x4] =	wrdreg $0xC0  }
0x23: {  	_ =	task [dreg:s7], $0x5FFFF  }
0x24: {  	[dreg:$0x1] =	wrdreg $0xFFFFFFFF  }
0x25: {  	[dreg:$0x0] =	wrdreg $0x60  }
0x26: {  	[dreg:$0x2] =	wrdreg s25  }
0x27: {  	[dreg:$0x3] =	wrdreg s2  }
0x28: {  	[dreg:$0x4] =	wrdreg $0x9  }
0x29: {  	_ =	task.clear_ibuf [dreg:s7], $0x5FFFF;
	_ =	strace $0x90000049  }
0x2a: {  	s29 =	simm.s32 $0x9;
	_ =	strace $0x8000004B  }
0x2b: {  	_ =	swait.ge [sflag:s29], $0x1  }
0x2c: {  	[sflag:s29] =	ssyncadd.s32 $0xFFFFFFFF  }
0x2d: {  	_ =	strace $0x9000004B  }
0x2e: {  	_ =	sfence  }
0x2f: {  	s30 =	sld [smem:$0x0];
	_ =	sdelay $0x2  }
0x30: {  	s31 =	sshll.u32 s1, $0xD;
	s1 =	sshrl.u32 s1, $0x2  }
0x31: {  	s3 =	sand.u32 $0x4000, s31;
	s1 =	sadd.s32 s1, s30  }
0x32: {  	s0 =	sor.u32 s3, s0;
	s1 =	sshll.u32 s1, $0x11  }
0x33: {  	s0 =	sor.u32 s1, s0  }
0x34: {  	s0 =	sadd.s32 $0x8F2B, s0  }
0x35: {  	[sflag:s0] =	ssyncadd.remote.s32 $0x1  }
0x36: {  	_ =	sfence.sel $0xFFFF  }
0x37: {  	[dreg:$0x0] =	wrdreg $0xFFFFFFFF;
	(pc) =	sbr.abs _section_cstart, $3  }
0x38: {  	[dreg:$0x1] =	wrdreg $0xFFFFFFFF  }
0x39: {  	_ =	task.clear_ibuf [dreg:s7], $0x2FFFF;
	_ =	strace $0x9FFFFFFF  }
0x3a: {  	(tm) =	ssettm $0x7FFFFFFF  }
0x3b: {  	_ =	shalt  }
tec
execute0_lowered:
.L_overlay_start_1:
0x0: {  	(tag) =	ssettag $0x1  }
0x1: {  	s0 =	srdreg.scid  }
0x2: {  	s1 =	sshll.u32 s0, $0x4  }
0x3: {  	s0 =	stileid.u32;
	s1 =	sand.u32 $0x10, s1  }
0x4: {  	s1 =	sor.u32 s0, s1  }
0x5: {  	s6 =	rddreg [dreg:$0x0];
	s4 =	simm.s32 $0x1;
	s2 =	sshll.u32 s1, $0x7  }
0x6: {  	s7 =	simm.s32 $0x2;
	s12 =	simm.s32 $0x0;
	s1 =	ssub.s32 $0x1000, s2  }
0x7: {  	s8 =	simm.s32 $0x8000;
	s13 =	simm.s32 $0x0;
	s3 =	sand.u32 $0xF80, s1  }
0x8: {  	s9 =	simm.s32 $0x0;
	s5 =	sshrl.u32 s1, $0xC;
	p0 =	sne.s32 s3, $0x0  }
.Ltmp0:
0x9: {  	s1 =	rddreg [dreg:$0x2];
	s4 =	simm.s32 @!p0 $0x0;
	(pc) =	sbr.rel .LBB1_1-.Ltmp0, $4  }
0xa: {  	s11 =	simm.s32 $0x0;
	s3 =	rddreg [dreg:$0x1];
	s5 =	sadd.s32 s4, s5  }
0xb: {  	_ =	strace $0x8000004A;
	s4 =	simm.s32 $0x1;
	s5 =	smul.u32 $0xC8, s5  }
0xc: {  	s6 =	sadd.s32 $0xA00, s6;
	s10 =	smov.u32 s2;
	[sflag:s4] =	ssyncpa.u1 $0x0  }
0xd: {  	p0 =	por $0x0, $0x0;
	[sflag:s7] =	ssyncpa.u1 $0x0;
	s7 =	sor.u32 $0x1, s5  }
.LBB1_4:
0xe: {  	s16 =	sshll.u32 s13, $0x3;
	s17 =	sand.u32 $0x78, s13  }
0xf: {  	s30 =	sand.u32 $0x7E00, s13;
	s12 =	sshll.u32 s12, $0xF;
	s16 =	sand.u32 $0xC00, s16  }
0x10: {  	[tilespmem:s15+$0x810 ss:$0x81] =	vst.msk $0xffff, v2;
	s31 =	sand.u32 $0x7, s13;
	s16 =	sor.u32 s17, s16;
	s17 =	sadd.s32 s3, s30  }
0x11: {  	[tilespmem:s15+$0x1020 ss:$0x81] =	vst.msk $0xffff, v0;
	s13 =	sshll.u32 s31, $0x12;
	s12 =	sadd.s32 s12, s17;
	s16 =	sshrl.u32 s16, $0x3  }
0x12: {  	[tilespmem:s15+$0x0 ss:$0x81] =	vst.msk $0xffff, v1;
	s13 =	sor.u32 $0x400, s13;
	s12 =	sadd.s32 s16, s12  }
0x13: {  	[hbm4b:s12+s13] =	stream.strided.scatter [tilespmem:s14], [sflag:$0x2], $0x2000, s8, s13, $0x20;
	[tilespmem:$0x8080] =	vst v63  }
.LBB1_5:
0x14: {  	s14 =	sadd.s32 $0x1, s9  }
0x15: {  	s12 =	sadd.s32 $0x1000, s10;
	s16 =	smov.u32 s10;
	p2 =	sgt.s32 s14, $0xC7  }
0x16: {  	s16 =	smov.u32 @p2 s12  }
0x17: {  	s14 =	simm.s32 @p2 $0x0;
	p2 =	sgt.s32 s16, $0xFFF  }
0x18: {  	s16 =	smov.u32 @p2 s2;
	p2 =	sne.s32 s11, s7  }
.Ltmp1:
0x19: {  	p1 =	slt.u32 s11, $0x2;
	(pc) =	sbr.rel @!p2 .LBB1_6-.Ltmp1, $4  }
0x1a: {  	s15 =	simm.s32 @!p1 $0x2  }
0x1b: {  	s13 =	smov.u32 s10;
	p0 =	por !p0, !p0;
	_ =	swait.ge @!p1 [sflag:s15], $0x2000  }
0x1c: {  	s12 =	smov.u32 s9;
	[sflag:s15] =	ssyncset.done @!p1 $0x0;
	s9 =	smov.u32 s14  }
0x1d: {  	s11 =	sadd.s32 $0x1, s11;
	[sflag:s15] =	ssyncadd.s32 @!p1 $0xFFFFE000;
	s10 =	smov.u32 s16  }
.LBB1_1:
0x1e: {  	p1 =	sge.u32 s11, s5  }
0x1f: {  	s14 =	sand.u32 @!p1 $0x1FFFFFF, s9  }
0x20: {  	s15 =	smulhi.u32 @!p1 $0x147AE15, s14;
	_ =	sdelay $0x1  }
0x21: {  	s15 =	smul.u32 @!p1 $0xC8, s15  }
0x22: {  	s16 =	sxor.u32 @!p1 $0xFFFFFFFF, s11;
	s17 =	smul.u32 @!p1 $0xC80, s10  }
0x23: {  	s31 =	sadd.s32 $0xFFFFFFFF, s11;
	s16 =	sshll.u32 @!p1 s16, $0xD;
	s14 =	ssub.s32 @!p1 s14, s15  }
0x24: {  	s15 =	sand.u32 @!p1 $0x2000, s16;
	s16 =	sadd.s32 @!p1 s6, s17;
	s14 =	sshll.u32 @!p1 s14, $0x4  }
0x25: {  	s17 =	simm.s32 @!p1 $0x6400;
	s14 =	sadd.s32 @!p1 s14, s16;
	s16 =	simm.s32 @!p1 $0x40  }
0x26: {  	[tilespmem:s15], [sflag:$0x1] =	stream.strided.gather @!p1 [hbm4b:s14+s16], $0x2000, s17, s16, $0x38;
	[tilespmem:$0x8080] =	vst v63  }
0x27: {  	p1 =	sge.u32 s31, s5  }
.Ltmp2:
0x28: {  	_ = 	snop;
	(pc) =	sbr.rel @p1 .LBB1_5-.Ltmp2, $1  }
0x29: {  	_ =	sdelay $0x3  }
0x2a: {  	s14 =	simm.s32 $0x1  }
0x2b: {  	_ =	swait.ge [sflag:s4], $0x2000;
	s14 =	simm.s32 @!p0 $0x0  }
0x2c: {  	[sflag:s4] =	ssyncset.done $0x0;
	s15 =	sshll.u32 s14, $0xD  }
0x2d: {  	[sflag:s4] =	ssyncadd.s32 $0xFFFFE000;
	s18 =	sor.u32 $0x20, s15  }
0x2e: {  	s14 =	smul.u32 $0x8100, s14;
	v3 =	vld [tilespmem:s18+$0x10]  }
0x2f: {  	s30 =	sand.u32 $0x1, s11;
	v2 =	vld [tilespmem:s18+$0xFFFFFFF0]  }
0x30: {  	s15 =	smul.u32 $0x8100, s30;
	s14 =	sshrl.u32 s14, $0x2;
	v0 =	vld [tilespmem:s18+$0x0]  }
0x31: {  	v1 =	vld [tilespmem:s18+$0xFFFFFFE0];
	s16 =	sor.u32 $0x4000, s14  }
0x32: {  	s31 =	sshrl.u32 s15, $0x2;
	s15 =	sadd.s32 $0x0, s16  }
0x33: {  	s17 =	simm.s32 $0x4;
	s18 =	sadd.s32 $0x40, s18;
	s14 =	sor.u32 $0x4000, s31;
	[tilespmem:s15+$0x1830 ss:$0x81] =	vst.msk $0xffff, v3  }
.LBB1_3:
0x34: {  	v3 =	vld [tilespmem:s18+$0x10];
	p1 =	sne.s32 s17, $0x1FC;
	[tilespmem:s15+$0x810 ss:$0x81] =	vst.msk $0xffff, v2;
	s19 =	smov.u32 s17;
	s17 =	sadd.s32 $0x4, s17  }
.Ltmp3:
0x35: {  	v2 =	vld [tilespmem:s18+$0xFFFFFFF0];
	[tilespmem:s15+$0x1020 ss:$0x81] =	vst.msk $0xffff, v0;
	(pc) =	sbr.rel @p1 .LBB1_3-.Ltmp3, $4  }
0x36: {  	v0 =	vld [tilespmem:s18+$0x0];
	[tilespmem:s15+$0x0 ss:$0x81] =	vst.msk $0xffff, v1  }
0x37: {  	s15 =	sshra.s32 s19, $0x2;
	v1 =	vld [tilespmem:s18+$0xFFFFFFE0]  }
0x38: {  	s15 =	sadd.s32 s15, s16  }
0x39: {  	s18 =	sadd.s32 $0x40, s18;
	[tilespmem:s15+$0x1830 ss:$0x81] =	vst.msk $0xffff, v3  }
.Ltmp4:
0x3a: {  	_ = 	snop;
	(pc) =	sbr.rel .LBB1_4-.Ltmp4, $1  }
0x3b: {  	_ =	sdelay $0x3  }
.LBB1_6:
0x3c: {  	_ =	sfence.sel $0x180000  }
0x3d: {  	s2 =	simm.s32 $0x1;
	[bflag:$0x0] =	sbarrier.arrive $0xFFFF  }
0x3e: {  	s31 =	simm.s32 $0x2;
	[sflag:s2] =	ssyncpa.u1 $0x1  }
0x3f: {  	[sflag:s31] =	ssyncpa.u1 $0x1  }
0x40: {  	p0 =	sne.s32 s0, $0x0;
	_ =	strace $0x9000004A  }
0x41: {  	s0 =	sadd.s32 @!p0 $0x100000, s1;
	[bflag:$0x2] =	sbarrier.arrive $0xFFFF  }
0x42: {  	[sflag:s0] =	ssyncadd.tile.s32 @!p0 $0x1;
	_ =	shalt  }
.Lfunc_end1:
_tile_overlayer_lowered:
.L_overlay_start_2:
0x43: {  	(tag) =	ssettag $0x2  }
0x44: {  	s0 =	rddreg [dreg:$0x0];
	s2 =	stileid.u32  }
0x45: {  	s1 =	rddreg [dreg:$0x1];
	p0 =	sne.s32 s2, $0x0  }
0x46: {  	s3 =	rddreg [dreg:$0x2];
	[bflag:$0x3] =	sbarrier.arrive $0xFFFF;
	s2 =	simm.s32 @!p0 $0x1C01  }
0x47: {  	[timem:s3], [sflag:s2] =	dma.local @!p0 [hbm:s0], s1  }
0x48: {  	s0 =	simm.s32 @!p0 $0x1  }
0x49: {  	_ =	swait.ge @!p0 [sflag:s0], s1  }
0x4a: {  	s1 =	ssub.s32 @!p0 $0x0, s1;
	[sflag:s0] =	ssyncset.done @!p0 $0x0  }
0x4b: {  	[sflag:s0] =	ssyncadd.s32 @!p0 s1  }
0x4c: {  	[bflag:$0x3] =	sbarrier.arrive $0xFFFF  }
0x4d: {  	_ =	shalt  }

</sc_bundles>
